<compile_context>
chip_gen: v7x
topology: tpu7x:2x2x1
jax: 0.10.2.dev20260603
libtpu: 0.0.44.dev20260713+nightly
codegen_flags: <defaults>
</compile_context>

<pallas_src>
import functools

import jax
import jax.numpy as jnp
from jax import lax
from jax.experimental import pallas as pl
from jax.experimental.pallas import tpu as pltpu
from jax.experimental.pallas import tpu_sc as plsc

_B, _N, _C = 4, 8192, 128
_S, _K = 1024, 32
_TS = 128

_NW = 32
_PPW = (_B * _S) // _NW


_RF = 4
_R = _B * _RF
_L = _N // _RF


def _fold4(v):
    return jnp.concatenate([v, v, v, v], axis=0)


def _comb4(v, op):
    return op(op(v[0:_B], v[_B:2 * _B]), op(v[2 * _B:3 * _B], v[3 * _B:]))


def _fps_kernel(xyzs_ref, far_ref, idx_ref, nxyz_ref):
    lane = lax.broadcasted_iota(jnp.int32, (_R, _L), 1)
    rowo = (lax.broadcasted_iota(jnp.int32, (_R, _L), 0) // _B) * _L
    iota_f = (lane + rowo).astype(jnp.float32)
    iota48_f = jnp.concatenate([iota_f, iota_f, iota_f], axis=0)
    xyzs = xyzs_ref[...]
    xs = xyzs[0:_R]
    ys = xyzs[_R:2 * _R]
    zs = xyzs[2 * _R:3 * _R]

    iota_s16 = lax.broadcasted_iota(jnp.int32, (_R, _S), 1)

    def body(i, carry):
        dist, fc, acc = carry
        fc48 = jnp.concatenate([_fold4(fc)] * 3, axis=0)
        neg = jnp.float32(-1e30)
        red = jnp.max(jnp.where(iota48_f == fc48, xyzs, neg),
                      axis=1, keepdims=True)
        cx = _comb4(red[0:_R], jnp.maximum)
        cy = _comb4(red[_R:2 * _R], jnp.maximum)
        cz = _comb4(red[2 * _R:3 * _R], jnp.maximum)
        vals16 = jnp.concatenate([fc, cx, cy, cz], axis=0)
        acc = jnp.where(iota_s16 == i, vals16, acc)
        cx16 = _fold4(cx)
        cy16 = _fold4(cy)
        cz16 = _fold4(cz)
        dx = xs - cx16
        dy = ys - cy16
        dz = zs - cz16
        d = dx * dx + dy * dy + dz * dz
        dist = jnp.minimum(dist, d)
        m = _comb4(jnp.max(dist, axis=1, keepdims=True), jnp.maximum)
        cand = jnp.where(dist == _fold4(m), iota_f, jnp.float32(_N))
        fc = _comb4(jnp.min(cand, axis=1, keepdims=True), jnp.minimum)
        return dist, fc, acc

    dist0 = jnp.full((_R, _L), 1e10, dtype=jnp.float32)
    acc0 = jnp.zeros((_R, _S), dtype=jnp.float32)
    _, _, acc = lax.fori_loop(
        0, _S, body, (dist0, far_ref[...].astype(jnp.float32), acc0))
    idx_ref[...] = acc[0:_B].astype(jnp.int32)
    nxyz_ref[:, :, 0:1] = acc[_B:2 * _B][:, :, None]
    nxyz_ref[:, :, 1:2] = acc[2 * _B:3 * _B][:, :, None]
    nxyz_ref[:, :, 2:3] = acc[3 * _B:][:, :, None]


def _fps(xyzs, far):
    return pl.pallas_call(
        _fps_kernel,
        out_shape=(
            jax.ShapeDtypeStruct((_B, _S), jnp.int32),
            jax.ShapeDtypeStruct((_B, _S, 3), jnp.float32),
        ),
    )(xyzs, far)


def _bf16_round(v):
    u = jax.lax.bitcast_convert_type(v, jnp.uint32)
    r = ((u >> 16) & jnp.uint32(1)) + jnp.uint32(0x7FFF)
    u = (u + r) & jnp.uint32(0xFFFF0000)
    return jax.lax.bitcast_convert_type(u, jnp.float32)


def _topk_kernel(nxyz_ref, xs_ref, ys_ref, zs_ref, idx_ref):
    sx = nxyz_ref[0, :, 0:1]
    sy = nxyz_ref[0, :, 1:2]
    sz = nxyz_ref[0, :, 2:3]
    dxr = xs_ref[0]
    dyr = ys_ref[0]
    dzr = zs_ref[0]
    d2 = dxr * dxr + dyr * dyr + dzr * dzr
    s2 = sx * sx + sy * sy + sz * sz
    cross = (_bf16_round(sx) * _bf16_round(dxr)
             + _bf16_round(sy) * _bf16_round(dyr)
             + _bf16_round(sz) * _bf16_round(dzr))
    dist = ((-2.0) * cross + s2) + d2
    iota_f = lax.broadcasted_iota(jnp.int32, (_TS, _N), 1).astype(jnp.float32)
    big = jnp.float32(3e38)
    sels = []
    for k in range(_K):
        m = jnp.min(dist, axis=1, keepdims=True)
        sel = jnp.min(jnp.where(dist == m, iota_f, jnp.float32(_N)),
                      axis=1, keepdims=True)
        sels.append(sel)
        dist = jnp.where(iota_f == sel, big, dist)
    idx_ref[0] = jnp.concatenate(sels, axis=1).astype(jnp.int32)


def _topk(new_xyz, xs3, ys3, zs3):
    ns = new_xyz.shape[1]
    return pl.pallas_call(
        _topk_kernel,
        grid=(_B, ns // _TS),
        in_specs=[
            pl.BlockSpec((1, _TS, 3), lambda b, s: (b, s, 0)),
            pl.BlockSpec((1, 1, _N), lambda b, s: (b, 0, 0)),
            pl.BlockSpec((1, 1, _N), lambda b, s: (b, 0, 0)),
            pl.BlockSpec((1, 1, _N), lambda b, s: (b, 0, 0)),
        ],
        out_specs=pl.BlockSpec((1, _TS, _K), lambda b, s: (b, s, 0)),
        out_shape=jax.ShapeDtypeStruct((_B, ns, _K), jnp.int32),
    )(new_xyz, xs3, ys3, zs3)


def _make_edge_body(ppw):
    def _edge_body(x_hbm, nbr_hbm, ctr_hbm, out_hbm,
                   idxn_v, idxc_v, ctr_rows, buf0, buf1, semc, semg0, semg1):
        w = lax.axis_index("c") * 16 + lax.axis_index("s")
        base = w * ppw
        pltpu.sync_copy(nbr_hbm.at[pl.ds(base, ppw)], idxn_v)
        pltpu.sync_copy(ctr_hbm.at[pl.ds(base, ppw)], idxc_v)
        pltpu.async_copy(x_hbm.at[idxc_v], ctr_rows, semc).wait()

        def do_pair(p, buf, semg):
            pltpu.make_async_copy(x_hbm.at[idxn_v.at[p]], buf, semg).wait()
            cvs = [ctr_rows[p, pl.ds(16 * j, 16)] for j in range(_C // 16)]

            def krow(k, c2):
                for j in range(_C // 16):
                    sl = pl.ds(16 * j, 16)
                    buf[k, sl] = buf[k, sl] - cvs[j]
                return c2

            lax.fori_loop(0, _K, krow, 0)
            pltpu.sync_copy(buf, out_hbm.at[pl.ds((base + p) * _K, _K)])

        pltpu.async_copy(x_hbm.at[idxn_v.at[0]], buf0, semg0)

        def step(g, carry):
            p0 = 2 * g
            p1 = 2 * g + 1
            pltpu.async_copy(x_hbm.at[idxn_v.at[p1]], buf1, semg1)
            do_pair(p0, buf0, semg0)
            pn = jnp.minimum(p1 + 1, ppw - 1)
            pltpu.async_copy(x_hbm.at[idxn_v.at[pn]], buf0, semg0)
            do_pair(p1, buf1, semg1)
            return carry

        lax.fori_loop(0, ppw // 2, step, 0)
        pltpu.make_async_copy(
            x_hbm.at[idxn_v.at[ppw - 1]], buf0, semg0).wait()

    return _edge_body


def _edge(xflat, nbr_flat, ctr_flat):
    npairs = nbr_flat.shape[0]
    ppw = npairs // _NW
    mesh = plsc.VectorSubcoreMesh(core_axis_name="c", subcore_axis_name="s")
    f = pl.kernel(
        _make_edge_body(ppw),
        out_type=jax.ShapeDtypeStruct((npairs * _K, _C), jnp.float32),
        mesh=mesh,
        scratch_types=[
            pltpu.VMEM((ppw, _K), jnp.int32),
            pltpu.VMEM((ppw,), jnp.int32),
            pltpu.VMEM((ppw, _C), jnp.float32),
            pltpu.VMEM((_K, _C), jnp.float32),
            pltpu.VMEM((_K, _C), jnp.float32),
            pltpu.SemaphoreType.DMA,
            pltpu.SemaphoreType.DMA,
            pltpu.SemaphoreType.DMA,
        ],
    )
    return f(xflat, nbr_flat, ctr_flat)


def kernel(xyz, x, farthest):
    xs = xyz[:, :, 0]
    ys = xyz[:, :, 1]
    zs = xyz[:, :, 2]

    def fold(p):
        return p.reshape(_B, _RF, _L).transpose(1, 0, 2).reshape(_R, _L)

    xyzs = jnp.concatenate([fold(xs), fold(ys), fold(zs)], axis=0)
    far = farthest[:, None].astype(jnp.int32)
    fps_idx, new_xyz = _fps(xyzs, far)

    boff = (jnp.arange(_B, dtype=jnp.int32) * _N)
    fps_flat = fps_idx + boff[:, None]
    xflat = x.reshape(_B * _N, _C)
    xs3 = xs[:, None, :]
    ys3 = ys[:, None, :]
    zs3 = zs[:, None, :]

    nchunk = 1
    half = _S // nchunk
    edges = []
    for ci in range(nchunk):
        sl = slice(ci * half, (ci + 1) * half)
        nbr = _topk(new_xyz[:, sl], xs3, ys3, zs3)
        nbr_flat = (nbr + boff[:, None, None]).reshape(_B * half, _K)
        ctr_flat = fps_flat[:, sl].reshape(_B * half)
        edges.append(
            _edge(xflat, nbr_flat, ctr_flat).reshape(_B, half, _K, _C))
    edge = jnp.concatenate(edges, axis=1)
    return new_xyz, edge

# --- scband reference (transcript-rebuilt; emitter-appended) ---
"""Pipeline reference for scband-generate-graph-21534966022861 (READ-ONLY COPY).

The authoritative reference and input builder live on the scoring server;
editing this copy changes nothing except your own understanding.
"""

import jax, jax.numpy as jnp
import numpy as np

B = 4
N = 8192
C = 128
FPS_POINTS = 1024
NEIGHBORS = 32


def farthest_point_sample(xyz, npoint, farthest0):
    Bq, Nq, _ = xyz.shape
    batch_idx = jnp.arange(Bq)

    def body(i, state):
        centroids, distance, farthest = state
        centroids = centroids.at[:, i].set(farthest)
        centroid = xyz[batch_idx, farthest, :][:, None, :]
        dist = jnp.sum((xyz - centroid) ** 2, -1)
        distance = jnp.minimum(distance, dist)
        farthest = jnp.argmax(distance, -1).astype(jnp.int32)
        return (centroids, distance, farthest)

    centroids = jnp.zeros((Bq, npoint), dtype=jnp.int32)
    distance = jnp.ones((Bq, Nq), dtype=xyz.dtype) * 1e10
    state = (centroids, distance, farthest0.astype(jnp.int32))
    centroids, _, _ = jax.lax.fori_loop(0, npoint, body, state)
    return centroids


def index_points(points, idx):
    # points: [B, N, C]; idx: [B, ...] -> [B, ..., C]
    return jax.vmap(lambda p, i: p[i])(points, idx)


def square_distance(src, dst):
    Bq, Nq, _ = src.shape
    _, Mq, _ = dst.shape
    dist = -2 * jnp.matmul(src, jnp.transpose(dst, (0, 2, 1)))
    dist = dist + jnp.sum(src ** 2, -1).reshape(Bq, Nq, 1)
    dist = dist + jnp.sum(dst ** 2, -1).reshape(Bq, 1, Mq)
    return dist


def setup_inputs(seed: int = 0) -> dict:
    key = jax.random.key(seed)
    k1, k2, k3 = jax.random.split(key, 3)
    xyz = jax.random.normal(k1, (B, N, 3), dtype=jnp.float32)
    x = jax.random.normal(k2, (B, N, C), dtype=jnp.float32)
    farthest = jax.random.randint(k3, (B,), 0, N, dtype=jnp.int32)
    return {"xyz": xyz, "x": x, "farthest": farthest}


def reference(xyz, x, farthest):
    fps_idx = farthest_point_sample(xyz, FPS_POINTS, farthest)
    new_xyz = index_points(xyz, fps_idx)
    new_points = index_points(x, fps_idx)
    distance = square_distance(new_xyz, xyz)
    _, idx = jax.lax.top_k(-distance, NEIGHBORS)
    grouped_points = index_points(x, idx)
    edge = grouped_points - new_points[:, :, None, :]
    return (new_xyz, edge)

if __name__ == "__main__":
    import jax
    _d = setup_inputs()
    print(jax.jit(kernel)(*tuple(_d.values())))

</pallas_src>

<mosaic_0001>
#map = affine_map<(d0, d1) -> (0, 0)>
#map1 = affine_map<(d0, d1) -> (0)>
module attributes {stable_mosaic.version = 14 : i64} {
  func.func @_edge_body(%arg0: i32, %arg1: i32, %arg2: memref<32768x128xf32, #tpu.memory_space<hbm>>, %arg3: memref<4096x32xi32, #tpu.memory_space<hbm>>, %arg4: memref<4096xi32, #tpu.memory_space<hbm>>, %arg5: memref<131072x128xf32, #tpu.memory_space<hbm>>, %arg6: memref<128x32xi32, #tpu.memory_space<vmem>>, %arg7: memref<128xi32, #tpu.memory_space<vmem>>, %arg8: memref<128x128xf32, #tpu.memory_space<vmem>>, %arg9: memref<32x128xf32, #tpu.memory_space<vmem>>, %arg10: memref<32x128xf32, #tpu.memory_space<vmem>>, %arg11: memref<!tpu.dma_semaphore, #tpu.memory_space<semaphore_mem>>, %arg12: memref<!tpu.dma_semaphore, #tpu.memory_space<semaphore_mem>>, %arg13: memref<!tpu.dma_semaphore, #tpu.memory_space<semaphore_mem>>) attributes {dimension_semantics = [#tpu.dimension_semantics<core_parallel>, #tpu.dimension_semantics<subcore_parallel>], iteration_bounds = array<i64: 2, 16>, scalar_prefetch = 0 : i64, scratch_operands = 8 : i64, tpu.core_type = #tpu.core_type<sc_vector_subcore>, window_params = [{transform_indices = #map}, {transform_indices = #map}, {transform_indices = #map1}, {transform_indices = #map}]} {
    %mul3A = arith.constant 16 : i32
    %mul3A_0 = arith.muli %arg0, %mul3A : i32
    %add3A = arith.addi %mul3A_0, %arg1 : i32
    %mul3A_1 = arith.constant 128 : i32
    %mul3A_2 = arith.muli %add3A, %mul3A_1 : i32
    "tpu.region"() ({
      %run_scoped3A = tpu.sem_alloc : memref<!tpu.dma_semaphore, #tpu.memory_space<semaphore_mem>>
      %dma_start3A_26 = arith.constant 0 : i32
      %dma_start3A_27 = tpu.memref_slice %arg3[%mul3A_2, %dma_start3A_26] : memref<4096x32xi32, #tpu.memory_space<hbm>> -> memref<128x32xi32, #tpu.memory_space<hbm>>
      %dma_start3A_28 = arith.constant 0 : i32
      %dma_start3A_29 = tpu.memref_slice %arg3[%mul3A_2, %dma_start3A_28] : memref<4096x32xi32, #tpu.memory_space<hbm>> -> memref<128x32xi32, #tpu.memory_space<hbm>>
      tpu.enqueue_dma source(%dma_start3A_29 : memref<128x32xi32, #tpu.memory_space<hbm>>) target(%arg6 : memref<128x32xi32, #tpu.memory_space<vmem>>) target_semaphore(%run_scoped3A : memref<!tpu.dma_semaphore, #tpu.memory_space<semaphore_mem>>)
      %dma_wait3A_30 = arith.constant 0 : i32
      %dma_wait3A_31 = tpu.memref_slice %arg3[%mul3A_2, %dma_wait3A_30] : memref<4096x32xi32, #tpu.memory_space<hbm>> -> memref<128x32xi32, #tpu.memory_space<hbm>>
      %dma_wait3A_32 = arith.constant 0 : i32
      %dma_wait3A_33 = tpu.memref_slice %arg3[%mul3A_2, %dma_wait3A_32] : memref<4096x32xi32, #tpu.memory_space<hbm>> -> memref<128x32xi32, #tpu.memory_space<hbm>>
      tpu.wait_dma2 semaphore(%run_scoped3A : memref<!tpu.dma_semaphore, #tpu.memory_space<semaphore_mem>>) src(%dma_wait3A_33 : memref<128x32xi32, #tpu.memory_space<hbm>>) dst(%arg6 : memref<128x32xi32, #tpu.memory_space<vmem>>)
      tpu.yield
    }) : () -> ()
    "tpu.region"() ({
      %run_scoped3A = tpu.sem_alloc : memref<!tpu.dma_semaphore, #tpu.memory_space<semaphore_mem>>
      %dma_start3A_26 = tpu.memref_slice %arg4[%mul3A_2] : memref<4096xi32, #tpu.memory_space<hbm>> -> memref<128xi32, #tpu.memory_space<hbm>>
      %dma_start3A_27 = tpu.memref_slice %arg4[%mul3A_2] : memref<4096xi32, #tpu.memory_space<hbm>> -> memref<128xi32, #tpu.memory_space<hbm>>
      tpu.enqueue_dma source(%dma_start3A_27 : memref<128xi32, #tpu.memory_space<hbm>>) target(%arg7 : memref<128xi32, #tpu.memory_space<vmem>>) target_semaphore(%run_scoped3A : memref<!tpu.dma_semaphore, #tpu.memory_space<semaphore_mem>>)
      %dma_wait3A_28 = tpu.memref_slice %arg4[%mul3A_2] : memref<4096xi32, #tpu.memory_space<hbm>> -> memref<128xi32, #tpu.memory_space<hbm>>
      %dma_wait3A_29 = tpu.memref_slice %arg4[%mul3A_2] : memref<4096xi32, #tpu.memory_space<hbm>> -> memref<128xi32, #tpu.memory_space<hbm>>
      tpu.wait_dma2 semaphore(%run_scoped3A : memref<!tpu.dma_semaphore, #tpu.memory_space<semaphore_mem>>) src(%dma_wait3A_29 : memref<128xi32, #tpu.memory_space<hbm>>) dst(%arg7 : memref<128xi32, #tpu.memory_space<vmem>>)
      tpu.yield
    }) : () -> ()
    %dma_start3A = arith.constant 0 : i32
    %dma_start3A_3 = arith.constant 0 : i32
    %dma_start3A_4 = tpu.memref_slice %arg2[%dma_start3A, %dma_start3A_3] : memref<32768x128xf32, #tpu.memory_space<hbm>> -> memref<32768x128xf32, #tpu.memory_space<hbm>>
    tpu.enqueue_indirect_dma source(%dma_start3A_4 : memref<32768x128xf32, #tpu.memory_space<hbm>>) target(%arg8 : memref<128x128xf32, #tpu.memory_space<vmem>>) offsets(%arg7 : memref<128xi32, #tpu.memory_space<vmem>>) semaphore(%arg11 : memref<!tpu.dma_semaphore, #tpu.memory_space<semaphore_mem>>)
    %dma_wait3A = arith.constant 0 : i32
    %dma_wait3A_5 = arith.constant 0 : i32
    %dma_wait3A_6 = tpu.memref_slice %arg2[%dma_wait3A, %dma_wait3A_5] : memref<32768x128xf32, #tpu.memory_space<hbm>> -> memref<32768x128xf32, #tpu.memory_space<hbm>>
    tpu.wait_indirect_dma semaphore(%arg11 : memref<!tpu.dma_semaphore, #tpu.memory_space<semaphore_mem>>) src(%dma_wait3A_6 : memref<32768x128xf32, #tpu.memory_space<hbm>>) dst(%arg8 : memref<128x128xf32, #tpu.memory_space<vmem>>)
    %dma_start3A_7 = arith.constant 0 : i32
    %dma_start3A_8 = arith.constant 0 : i32
    %dma_start3A_9 = tpu.memref_slice %arg6[%dma_start3A_7, %dma_start3A_8] : memref<128x32xi32, #tpu.memory_space<vmem>> -> memref<1x32xi32, #tpu.memory_space<vmem>>
    %dma_start3A_10 = tpu.memref_squeeze %dma_start3A_9 : memref<1x32xi32, #tpu.memory_space<vmem>> -> memref<32xi32, #tpu.memory_space<vmem>>
    %dma_start3A_11 = arith.constant 0 : i32
    %dma_start3A_12 = arith.constant 0 : i32
    %dma_start3A_13 = tpu.memref_slice %arg2[%dma_start3A_11, %dma_start3A_12] : memref<32768x128xf32, #tpu.memory_space<hbm>> -> memref<32768x128xf32, #tpu.memory_space<hbm>>
    tpu.enqueue_indirect_dma source(%dma_start3A_13 : memref<32768x128xf32, #tpu.memory_space<hbm>>) target(%arg9 : memref<32x128xf32, #tpu.memory_space<vmem>>) offsets(%dma_start3A_10 : memref<32xi32, #tpu.memory_space<vmem>>) semaphore(%arg12 : memref<!tpu.dma_semaphore, #tpu.memory_space<semaphore_mem>>)
    %scan3A = arith.constant 0 : i32
    %scan3A_14 = arith.constant 0 : i32
    %scan3A_15 = arith.constant 64 : i32
    %scan3A_16 = arith.addi %scan3A_14, %scan3A_15 : i32
    %scan3A_17 = arith.constant 1 : i32
    scf.for %scan3A_26 = %scan3A_14 to %scan3A_16 step %scan3A_17  : i32 {
      %mul3A_27 = arith.constant 2 : i32
      %mul3A_28 = arith.muli %mul3A_27, %scan3A_26 : i32
      %mul3A_29 = arith.constant 2 : i32
      %mul3A_30 = arith.muli %mul3A_29, %scan3A_26 : i32
      %add3A_31 = arith.constant 1 : i32
      %add3A_32 = arith.addi %mul3A_30, %add3A_31 : i32
      %dma_start3A_33 = arith.constant 0 : i32
      %dma_start3A_34 = tpu.memref_slice %arg6[%add3A_32, %dma_start3A_33] : memref<128x32xi32, #tpu.memory_space<vmem>> -> memref<1x32xi32, #tpu.memory_space<vmem>>
      %dma_start3A_35 = tpu.memref_squeeze %dma_start3A_34 : memref<1x32xi32, #tpu.memory_space<vmem>> -> memref<32xi32, #tpu.memory_space<vmem>>
      %dma_start3A_36 = arith.constant 0 : i32
      %dma_start3A_37 = arith.constant 0 : i32
      %dma_start3A_38 = tpu.memref_slice %arg2[%dma_start3A_36, %dma_start3A_37] : memref<32768x128xf32, #tpu.memory_space<hbm>> -> memref<32768x128xf32, #tpu.memory_space<hbm>>
      tpu.enqueue_indirect_dma source(%dma_start3A_38 : memref<32768x128xf32, #tpu.memory_space<hbm>>) target(%arg10 : memref<32x128xf32, #tpu.memory_space<vmem>>) offsets(%dma_start3A_35 : memref<32xi32, #tpu.memory_space<vmem>>) semaphore(%arg13 : memref<!tpu.dma_semaphore, #tpu.memory_space<semaphore_mem>>)
      %dma_wait3A_39 = arith.constant 0 : i32
      %dma_wait3A_40 = tpu.memref_slice %arg6[%mul3A_28, %dma_wait3A_39] : memref<128x32xi32, #tpu.memory_space<vmem>> -> memref<1x32xi32, #tpu.memory_space<vmem>>
      %dma_wait3A_41 = tpu.memref_squeeze %dma_wait3A_40 : memref<1x32xi32, #tpu.memory_space<vmem>> -> memref<32xi32, #tpu.memory_space<vmem>>
      %dma_wait3A_42 = arith.constant 0 : i32
      %dma_wait3A_43 = arith.constant 0 : i32
      %dma_wait3A_44 = tpu.memref_slice %arg2[%dma_wait3A_42, %dma_wait3A_43] : memref<32768x128xf32, #tpu.memory_space<hbm>> -> memref<32768x128xf32, #tpu.memory_space<hbm>>
      tpu.wait_indirect_dma semaphore(%arg12 : memref<!tpu.dma_semaphore, #tpu.memory_space<semaphore_mem>>) src(%dma_wait3A_44 : memref<32768x128xf32, #tpu.memory_space<hbm>>) dst(%arg9 : memref<32x128xf32, #tpu.memory_space<vmem>>)
      %get3A = arith.index_cast %mul3A_28 : i32 to index
      %get3A_45 = arith.constant 0 : index
      %get3A_46 = tpu.vector_load %arg8[%get3A, %get3A_45] {strides = array<i32>} : memref<128x128xf32, #tpu.memory_space<vmem>>, vector<1x16xf32>,
      %get3A_47 = vector.shape_cast %get3A_46 : vector<1x16xf32> to vector<16xf32>
      %get3A_48 = arith.index_cast %mul3A_28 : i32 to index
      %get3A_49 = arith.constant 16 : index
      %get3A_50 = tpu.vector_load %arg8[%get3A_48, %get3A_49] {strides = array<i32>} : memref<128x128xf32, #tpu.memory_space<vmem>>, vector<1x16xf32>,
      %get3A_51 = vector.shape_cast %get3A_50 : vector<1x16xf32> to vector<16xf32>
      %get3A_52 = arith.index_cast %mul3A_28 : i32 to index
      %get3A_53 = arith.constant 32 : index
      %get3A_54 = tpu.vector_load %arg8[%get3A_52, %get3A_53] {strides = array<i32>} : memref<128x128xf32, #tpu.memory_space<vmem>>, vector<1x16xf32>,
      %get3A_55 = vector.shape_cast %get3A_54 : vector<1x16xf32> to vector<16xf32>
      %get3A_56 = arith.index_cast %mul3A_28 : i32 to index
      %get3A_57 = arith.constant 48 : index
      %get3A_58 = tpu.vector_load %arg8[%get3A_56, %get3A_57] {strides = array<i32>} : memref<128x128xf32, #tpu.memory_space<vmem>>, vector<1x16xf32>,
      %get3A_59 = vector.shape_cast %get3A_58 : vector<1x16xf32> to vector<16xf32>
      %get3A_60 = arith.index_cast %mul3A_28 : i32 to index
      %get3A_61 = arith.constant 64 : index
      %get3A_62 = tpu.vector_load %arg8[%get3A_60, %get3A_61] {strides = array<i32>} : memref<128x128xf32, #tpu.memory_space<vmem>>, vector<1x16xf32>,
      %get3A_63 = vector.shape_cast %get3A_62 : vector<1x16xf32> to vector<16xf32>
      %get3A_64 = arith.index_cast %mul3A_28 : i32 to index
      %get3A_65 = arith.constant 80 : index
      %get3A_66 = tpu.vector_load %arg8[%get3A_64, %get3A_65] {strides = array<i32>} : memref<128x128xf32, #tpu.memory_space<vmem>>, vector<1x16xf32>,
      %get3A_67 = vector.shape_cast %get3A_66 : vector<1x16xf32> to vector<16xf32>
      %get3A_68 = arith.index_cast %mul3A_28 : i32 to index
      %get3A_69 = arith.constant 96 : index
      %get3A_70 = tpu.vector_load %arg8[%get3A_68, %get3A_69] {strides = array<i32>} : memref<128x128xf32, #tpu.memory_space<vmem>>, vector<1x16xf32>,
      %get3A_71 = vector.shape_cast %get3A_70 : vector<1x16xf32> to vector<16xf32>
      %get3A_72 = arith.index_cast %mul3A_28 : i32 to index
      %get3A_73 = arith.constant 112 : index
      %get3A_74 = tpu.vector_load %arg8[%get3A_72, %get3A_73] {strides = array<i32>} : memref<128x128xf32, #tpu.memory_space<vmem>>, vector<1x16xf32>,
      %get3A_75 = vector.shape_cast %get3A_74 : vector<1x16xf32> to vector<16xf32>
      %scan3A_76 = arith.constant 0 : i32
      %scan3A_77 = arith.constant 0 : i32
      %scan3A_78 = arith.constant 32 : i32
      %scan3A_79 = arith.addi %scan3A_77, %scan3A_78 : i32
      %scan3A_80 = arith.constant 1 : i32
      scf.for %scan3A_141 = %scan3A_77 to %scan3A_79 step %scan3A_80  : i32 {
        %get3A_142 = arith.index_cast %scan3A_141 : i32 to index
        %get3A_143 = arith.constant 0 : index
        %get3A_144 = tpu.vector_load %arg9[%get3A_142, %get3A_143] {strides = array<i32>} : memref<32x128xf32, #tpu.memory_space<vmem>>, vector<1x16xf32>,
        %get3A_145 = vector.shape_cast %get3A_144 : vector<1x16xf32> to vector<16xf32>
        %sub3A = arith.subf %get3A_145, %get3A_47 : vector<16xf32>
        %swap3A = arith.index_cast %scan3A_141 : i32 to index
        %swap3A_146 = arith.constant 0 : index
        %swap3A_147 = tpu.vector_load %arg9[%swap3A, %swap3A_146] {strides = array<i32>} : memref<32x128xf32, #tpu.memory_space<vmem>>, vector<1x16xf32>,
        %swap3A_148 = vector.shape_cast %swap3A_147 : vector<1x16xf32> to vector<16xf32>
        %swap3A_149 = vector.shape_cast %sub3A : vector<16xf32> to vector<1x16xf32>
        tpu.vector_store %arg9[%swap3A, %swap3A_146], %swap3A_149 {strides = array<i32>} : memref<32x128xf32, #tpu.memory_space<vmem>>, vector<1x16xf32>,
        %get3A_150 = arith.index_cast %scan3A_141 : i32 to index
        %get3A_151 = arith.constant 16 : index
        %get3A_152 = tpu.vector_load %arg9[%get3A_150, %get3A_151] {strides = array<i32>} : memref<32x128xf32, #tpu.memory_space<vmem>>, vector<1x16xf32>,
        %get3A_153 = vector.shape_cast %get3A_152 : vector<1x16xf32> to vector<16xf32>
        %sub3A_154 = arith.subf %get3A_153, %get3A_51 : vector<16xf32>
        %swap3A_155 = arith.index_cast %scan3A_141 : i32 to index
        %swap3A_156 = arith.constant 16 : index
        %swap3A_157 = tpu.vector_load %arg9[%swap3A_155, %swap3A_156] {strides = array<i32>} : memref<32x128xf32, #tpu.memory_space<vmem>>, vector<1x16xf32>,
        %swap3A_158 = vector.shape_cast %swap3A_157 : vector<1x16xf32> to vector<16xf32>
        %swap3A_159 = vector.shape_cast %sub3A_154 : vector<16xf32> to vector<1x16xf32>
        tpu.vector_store %arg9[%swap3A_155, %swap3A_156], %swap3A_159 {strides = array<i32>} : memref<32x128xf32, #tpu.memory_space<vmem>>, vector<1x16xf32>,
        %get3A_160 = arith.index_cast %scan3A_141 : i32 to index
        %get3A_161 = arith.constant 32 : index
        %get3A_162 = tpu.vector_load %arg9[%get3A_160, %get3A_161] {strides = array<i32>} : memref<32x128xf32, #tpu.memory_space<vmem>>, vector<1x16xf32>,
        %get3A_163 = vector.shape_cast %get3A_162 : vector<1x16xf32> to vector<16xf32>
        %sub3A_164 = arith.subf %get3A_163, %get3A_55 : vector<16xf32>
        %swap3A_165 = arith.index_cast %scan3A_141 : i32 to index
        %swap3A_166 = arith.constant 32 : index
        %swap3A_167 = tpu.vector_load %arg9[%swap3A_165, %swap3A_166] {strides = array<i32>} : memref<32x128xf32, #tpu.memory_space<vmem>>, vector<1x16xf32>,
        %swap3A_168 = vector.shape_cast %swap3A_167 : vector<1x16xf32> to vector<16xf32>
        %swap3A_169 = vector.shape_cast %sub3A_164 : vector<16xf32> to vector<1x16xf32>
        tpu.vector_store %arg9[%swap3A_165, %swap3A_166], %swap3A_169 {strides = array<i32>} : memref<32x128xf32, #tpu.memory_space<vmem>>, vector<1x16xf32>,
        %get3A_170 = arith.index_cast %scan3A_141 : i32 to index
        %get3A_171 = arith.constant 48 : index
        %get3A_172 = tpu.vector_load %arg9[%get3A_170, %get3A_171] {strides = array<i32>} : memref<32x128xf32, #tpu.memory_space<vmem>>, vector<1x16xf32>,
        %get3A_173 = vector.shape_cast %get3A_172 : vector<1x16xf32> to vector<16xf32>
        %sub3A_174 = arith.subf %get3A_173, %get3A_59 : vector<16xf32>
        %swap3A_175 = arith.index_cast %scan3A_141 : i32 to index
        %swap3A_176 = arith.constant 48 : index
        %swap3A_177 = tpu.vector_load %arg9[%swap3A_175, %swap3A_176] {strides = array<i32>} : memref<32x128xf32, #tpu.memory_space<vmem>>, vector<1x16xf32>,
        %swap3A_178 = vector.shape_cast %swap3A_177 : vector<1x16xf32> to vector<16xf32>
        %swap3A_179 = vector.shape_cast %sub3A_174 : vector<16xf32> to vector<1x16xf32>
        tpu.vector_store %arg9[%swap3A_175, %swap3A_176], %swap3A_179 {strides = array<i32>} : memref<32x128xf32, #tpu.memory_space<vmem>>, vector<1x16xf32>,
        %get3A_180 = arith.index_cast %scan3A_141 : i32 to index
        %get3A_181 = arith.constant 64 : index
        %get3A_182 = tpu.vector_load %arg9[%get3A_180, %get3A_181] {strides = array<i32>} : memref<32x128xf32, #tpu.memory_space<vmem>>, vector<1x16xf32>,
        %get3A_183 = vector.shape_cast %get3A_182 : vector<1x16xf32> to vector<16xf32>
        %sub3A_184 = arith.subf %get3A_183, %get3A_63 : vector<16xf32>
        %swap3A_185 = arith.index_cast %scan3A_141 : i32 to index
        %swap3A_186 = arith.constant 64 : index
        %swap3A_187 = tpu.vector_load %arg9[%swap3A_185, %swap3A_186] {strides = array<i32>} : memref<32x128xf32, #tpu.memory_space<vmem>>, vector<1x16xf32>,
        %swap3A_188 = vector.shape_cast %swap3A_187 : vector<1x16xf32> to vector<16xf32>
        %swap3A_189 = vector.shape_cast %sub3A_184 : vector<16xf32> to vector<1x16xf32>
        tpu.vector_store %arg9[%swap3A_185, %swap3A_186], %swap3A_189 {strides = array<i32>} : memref<32x128xf32, #tpu.memory_space<vmem>>, vector<1x16xf32>,
        %get3A_190 = arith.index_cast %scan3A_141 : i32 to index
        %get3A_191 = arith.constant 80 : index
        %get3A_192 = tpu.vector_load %arg9[%get3A_190, %get3A_191] {strides = array<i32>} : memref<32x128xf32, #tpu.memory_space<vmem>>, vector<1x16xf32>,
        %get3A_193 = vector.shape_cast %get3A_192 : vector<1x16xf32> to vector<16xf32>
        %sub3A_194 = arith.subf %get3A_193, %get3A_67 : vector<16xf32>
        %swap3A_195 = arith.index_cast %scan3A_141 : i32 to index
        %swap3A_196 = arith.constant 80 : index
        %swap3A_197 = tpu.vector_load %arg9[%swap3A_195, %swap3A_196] {strides = array<i32>} : memref<32x128xf32, #tpu.memory_space<vmem>>, vector<1x16xf32>,
        %swap3A_198 = vector.shape_cast %swap3A_197 : vector<1x16xf32> to vector<16xf32>
        %swap3A_199 = vector.shape_cast %sub3A_194 : vector<16xf32> to vector<1x16xf32>
        tpu.vector_store %arg9[%swap3A_195, %swap3A_196], %swap3A_199 {strides = array<i32>} : memref<32x128xf32, #tpu.memory_space<vmem>>, vector<1x16xf32>,
        %get3A_200 = arith.index_cast %scan3A_141 : i32 to index
        %get3A_201 = arith.constant 96 : index
        %get3A_202 = tpu.vector_load %arg9[%get3A_200, %get3A_201] {strides = array<i32>} : memref<32x128xf32, #tpu.memory_space<vmem>>, vector<1x16xf32>,
        %get3A_203 = vector.shape_cast %get3A_202 : vector<1x16xf32> to vector<16xf32>
        %sub3A_204 = arith.subf %get3A_203, %get3A_71 : vector<16xf32>
        %swap3A_205 = arith.index_cast %scan3A_141 : i32 to index
        %swap3A_206 = arith.constant 96 : index
        %swap3A_207 = tpu.vector_load %arg9[%swap3A_205, %swap3A_206] {strides = array<i32>} : memref<32x128xf32, #tpu.memory_space<vmem>>, vector<1x16xf32>,
        %swap3A_208 = vector.shape_cast %swap3A_207 : vector<1x16xf32> to vector<16xf32>
        %swap3A_209 = vector.shape_cast %sub3A_204 : vector<16xf32> to vector<1x16xf32>
        tpu.vector_store %arg9[%swap3A_205, %swap3A_206], %swap3A_209 {strides = array<i32>} : memref<32x128xf32, #tpu.memory_space<vmem>>, vector<1x16xf32>,
        %get3A_210 = arith.index_cast %scan3A_141 : i32 to index
        %get3A_211 = arith.constant 112 : index
        %get3A_212 = tpu.vector_load %arg9[%get3A_210, %get3A_211] {strides = array<i32>} : memref<32x128xf32, #tpu.memory_space<vmem>>, vector<1x16xf32>,
        %get3A_213 = vector.shape_cast %get3A_212 : vector<1x16xf32> to vector<16xf32>
        %sub3A_214 = arith.subf %get3A_213, %get3A_75 : vector<16xf32>
        %swap3A_215 = arith.index_cast %scan3A_141 : i32 to index
        %swap3A_216 = arith.constant 112 : index
        %swap3A_217 = tpu.vector_load %arg9[%swap3A_215, %swap3A_216] {strides = array<i32>} : memref<32x128xf32, #tpu.memory_space<vmem>>, vector<1x16xf32>,
        %swap3A_218 = vector.shape_cast %swap3A_217 : vector<1x16xf32> to vector<16xf32>
        %swap3A_219 = vector.shape_cast %sub3A_214 : vector<16xf32> to vector<1x16xf32>
        tpu.vector_store %arg9[%swap3A_215, %swap3A_216], %swap3A_219 {strides = array<i32>} : memref<32x128xf32, #tpu.memory_space<vmem>>, vector<1x16xf32>,
      }
      %scan3A_81 = arith.constant 32 : i32
      %add3A_82 = arith.addi %mul3A_2, %mul3A_28 : i32
      %mul3A_83 = arith.constant 32 : i32
      %mul3A_84 = arith.muli %add3A_82, %mul3A_83 : i32
      "tpu.region"() ({
        %run_scoped3A = tpu.sem_alloc : memref<!tpu.dma_semaphore, #tpu.memory_space<semaphore_mem>>
        %dma_start3A_141 = arith.constant 0 : i32
        %dma_start3A_142 = tpu.memref_slice %arg5[%mul3A_84, %dma_start3A_141] : memref<131072x128xf32, #tpu.memory_space<hbm>> -> memref<32x128xf32, #tpu.memory_space<hbm>>
        %dma_start3A_143 = arith.constant 0 : i32
        %dma_start3A_144 = tpu.memref_slice %arg5[%mul3A_84, %dma_start3A_143] : memref<131072x128xf32, #tpu.memory_space<hbm>> -> memref<32x128xf32, #tpu.memory_space<hbm>>
        tpu.enqueue_dma source(%arg9 : memref<32x128xf32, #tpu.memory_space<vmem>>) target(%dma_start3A_144 : memref<32x128xf32, #tpu.memory_space<hbm>>) target_semaphore(%run_scoped3A : memref<!tpu.dma_semaphore, #tpu.memory_space<semaphore_mem>>)
        %dma_wait3A_145 = arith.constant 0 : i32
        %dma_wait3A_146 = tpu.memref_slice %arg5[%mul3A_84, %dma_wait3A_145] : memref<131072x128xf32, #tpu.memory_space<hbm>> -> memref<32x128xf32, #tpu.memory_space<hbm>>
        %dma_wait3A_147 = arith.constant 0 : i32
        %dma_wait3A_148 = tpu.memref_slice %arg5[%mul3A_84, %dma_wait3A_147] : memref<131072x128xf32, #tpu.memory_space<hbm>> -> memref<32x128xf32, #tpu.memory_space<hbm>>
        tpu.wait_dma2 semaphore(%run_scoped3A : memref<!tpu.dma_semaphore, #tpu.memory_space<semaphore_mem>>) src(%arg9 : memref<32x128xf32, #tpu.memory_space<vmem>>) dst(%dma_wait3A_148 : memref<32x128xf32, #tpu.memory_space<hbm>>)
        tpu.yield
      }) : () -> ()
      %add3A_85 = arith.constant 1 : i32
      %add3A_86 = arith.addi %add3A_32, %add3A_85 : i32
      %min3A = arith.constant 127 : i32
      %min3A_87 = arith.minsi %add3A_86, %min3A : i32
      %dma_start3A_88 = arith.constant 0 : i32
      %dma_start3A_89 = tpu.memref_slice %arg6[%min3A_87, %dma_start3A_88] : memref<128x32xi32, #tpu.memory_space<vmem>> -> memref<1x32xi32, #tpu.memory_space<vmem>>
      %dma_start3A_90 = tpu.memref_squeeze %dma_start3A_89 : memref<1x32xi32, #tpu.memory_space<vmem>> -> memref<32xi32, #tpu.memory_space<vmem>>
      %dma_start3A_91 = arith.constant 0 : i32
      %dma_start3A_92 = arith.constant 0 : i32
      %dma_start3A_93 = tpu.memref_slice %arg2[%dma_start3A_91, %dma_start3A_92] : memref<32768x128xf32, #tpu.memory_space<hbm>> -> memref<32768x128xf32, #tpu.memory_space<hbm>>
      tpu.enqueue_indirect_dma source(%dma_start3A_93 : memref<32768x128xf32, #tpu.memory_space<hbm>>) target(%arg9 : memref<32x128xf32, #tpu.memory_space<vmem>>) offsets(%dma_start3A_90 : memref<32xi32, #tpu.memory_space<vmem>>) semaphore(%arg12 : memref<!tpu.dma_semaphore, #tpu.memory_space<semaphore_mem>>)
      %dma_wait3A_94 = arith.constant 0 : i32
      %dma_wait3A_95 = tpu.memref_slice %arg6[%add3A_32, %dma_wait3A_94] : memref<128x32xi32, #tpu.memory_space<vmem>> -> memref<1x32xi32, #tpu.memory_space<vmem>>
      %dma_wait3A_96 = tpu.memref_squeeze %dma_wait3A_95 : memref<1x32xi32, #tpu.memory_space<vmem>> -> memref<32xi32, #tpu.memory_space<vmem>>
      %dma_wait3A_97 = arith.constant 0 : i32
      %dma_wait3A_98 = arith.constant 0 : i32
      %dma_wait3A_99 = tpu.memref_slice %arg2[%dma_wait3A_97, %dma_wait3A_98] : memref<32768x128xf32, #tpu.memory_space<hbm>> -> memref<32768x128xf32, #tpu.memory_space<hbm>>
      tpu.wait_indirect_dma semaphore(%arg13 : memref<!tpu.dma_semaphore, #tpu.memory_space<semaphore_mem>>) src(%dma_wait3A_99 : memref<32768x128xf32, #tpu.memory_space<hbm>>) dst(%arg10 : memref<32x128xf32, #tpu.memory_space<vmem>>)
      %get3A_100 = arith.index_cast %add3A_32 : i32 to index
      %get3A_101 = arith.constant 0 : index
      %get3A_102 = tpu.vector_load %arg8[%get3A_100, %get3A_101] {strides = array<i32>} : memref<128x128xf32, #tpu.memory_space<vmem>>, vector<1x16xf32>,
      %get3A_103 = vector.shape_cast %get3A_102 : vector<1x16xf32> to vector<16xf32>
      %get3A_104 = arith.index_cast %add3A_32 : i32 to index
      %get3A_105 = arith.constant 16 : index
      %get3A_106 = tpu.vector_load %arg8[%get3A_104, %get3A_105] {strides = array<i32>} : memref<128x128xf32, #tpu.memory_space<vmem>>, vector<1x16xf32>,
      %get3A_107 = vector.shape_cast %get3A_106 : vector<1x16xf32> to vector<16xf32>
      %get3A_108 = arith.index_cast %add3A_32 : i32 to index
      %get3A_109 = arith.constant 32 : index
      %get3A_110 = tpu.vector_load %arg8[%get3A_108, %get3A_109] {strides = array<i32>} : memref<128x128xf32, #tpu.memory_space<vmem>>, vector<1x16xf32>,
      %get3A_111 = vector.shape_cast %get3A_110 : vector<1x16xf32> to vector<16xf32>
      %get3A_112 = arith.index_cast %add3A_32 : i32 to index
      %get3A_113 = arith.constant 48 : index
      %get3A_114 = tpu.vector_load %arg8[%get3A_112, %get3A_113] {strides = array<i32>} : memref<128x128xf32, #tpu.memory_space<vmem>>, vector<1x16xf32>,
      %get3A_115 = vector.shape_cast %get3A_114 : vector<1x16xf32> to vector<16xf32>
      %get3A_116 = arith.index_cast %add3A_32 : i32 to index
      %get3A_117 = arith.constant 64 : index
      %get3A_118 = tpu.vector_load %arg8[%get3A_116, %get3A_117] {strides = array<i32>} : memref<128x128xf32, #tpu.memory_space<vmem>>, vector<1x16xf32>,
      %get3A_119 = vector.shape_cast %get3A_118 : vector<1x16xf32> to vector<16xf32>
      %get3A_120 = arith.index_cast %add3A_32 : i32 to index
      %get3A_121 = arith.constant 80 : index
      %get3A_122 = tpu.vector_load %arg8[%get3A_120, %get3A_121] {strides = array<i32>} : memref<128x128xf32, #tpu.memory_space<vmem>>, vector<1x16xf32>,
      %get3A_123 = vector.shape_cast %get3A_122 : vector<1x16xf32> to vector<16xf32>
      %get3A_124 = arith.index_cast %add3A_32 : i32 to index
      %get3A_125 = arith.constant 96 : index
      %get3A_126 = tpu.vector_load %arg8[%get3A_124, %get3A_125] {strides = array<i32>} : memref<128x128xf32, #tpu.memory_space<vmem>>, vector<1x16xf32>,
      %get3A_127 = vector.shape_cast %get3A_126 : vector<1x16xf32> to vector<16xf32>
      %get3A_128 = arith.index_cast %add3A_32 : i32 to index
      %get3A_129 = arith.constant 112 : index
      %get3A_130 = tpu.vector_load %arg8[%get3A_128, %get3A_129] {strides = array<i32>} : memref<128x128xf32, #tpu.memory_space<vmem>>, vector<1x16xf32>,
      %get3A_131 = vector.shape_cast %get3A_130 : vector<1x16xf32> to vector<16xf32>
      %scan3A_132 = arith.constant 0 : i32
      %scan3A_133 = arith.constant 0 : i32
      %scan3A_134 = arith.constant 32 : i32
      %scan3A_135 = arith.addi %scan3A_133, %scan3A_134 : i32
      %scan3A_136 = arith.constant 1 : i32
      scf.for %scan3A_141 = %scan3A_133 to %scan3A_135 step %scan3A_136  : i32 {
        %get3A_142 = arith.index_cast %scan3A_141 : i32 to index
        %get3A_143 = arith.constant 0 : index
        %get3A_144 = tpu.vector_load %arg10[%get3A_142, %get3A_143] {strides = array<i32>} : memref<32x128xf32, #tpu.memory_space<vmem>>, vector<1x16xf32>,
        %get3A_145 = vector.shape_cast %get3A_144 : vector<1x16xf32> to vector<16xf32>
        %sub3A = arith.subf %get3A_145, %get3A_103 : vector<16xf32>
        %swap3A = arith.index_cast %scan3A_141 : i32 to index
        %swap3A_146 = arith.constant 0 : index
        %swap3A_147 = tpu.vector_load %arg10[%swap3A, %swap3A_146] {strides = array<i32>} : memref<32x128xf32, #tpu.memory_space<vmem>>, vector<1x16xf32>,
        %swap3A_148 = vector.shape_cast %swap3A_147 : vector<1x16xf32> to vector<16xf32>
        %swap3A_149 = vector.shape_cast %sub3A : vector<16xf32> to vector<1x16xf32>
        tpu.vector_store %arg10[%swap3A, %swap3A_146], %swap3A_149 {strides = array<i32>} : memref<32x128xf32, #tpu.memory_space<vmem>>, vector<1x16xf32>,
        %get3A_150 = arith.index_cast %scan3A_141 : i32 to index
        %get3A_151 = arith.constant 16 : index
        %get3A_152 = tpu.vector_load %arg10[%get3A_150, %get3A_151] {strides = array<i32>} : memref<32x128xf32, #tpu.memory_space<vmem>>, vector<1x16xf32>,
        %get3A_153 = vector.shape_cast %get3A_152 : vector<1x16xf32> to vector<16xf32>
        %sub3A_154 = arith.subf %get3A_153, %get3A_107 : vector<16xf32>
        %swap3A_155 = arith.index_cast %scan3A_141 : i32 to index
        %swap3A_156 = arith.constant 16 : index
        %swap3A_157 = tpu.vector_load %arg10[%swap3A_155, %swap3A_156] {strides = array<i32>} : memref<32x128xf32, #tpu.memory_space<vmem>>, vector<1x16xf32>,
        %swap3A_158 = vector.shape_cast %swap3A_157 : vector<1x16xf32> to vector<16xf32>
        %swap3A_159 = vector.shape_cast %sub3A_154 : vector<16xf32> to vector<1x16xf32>
        tpu.vector_store %arg10[%swap3A_155, %swap3A_156], %swap3A_159 {strides = array<i32>} : memref<32x128xf32, #tpu.memory_space<vmem>>, vector<1x16xf32>,
        %get3A_160 = arith.index_cast %scan3A_141 : i32 to index
        %get3A_161 = arith.constant 32 : index
        %get3A_162 = tpu.vector_load %arg10[%get3A_160, %get3A_161] {strides = array<i32>} : memref<32x128xf32, #tpu.memory_space<vmem>>, vector<1x16xf32>,
        %get3A_163 = vector.shape_cast %get3A_162 : vector<1x16xf32> to vector<16xf32>
        %sub3A_164 = arith.subf %get3A_163, %get3A_111 : vector<16xf32>
        %swap3A_165 = arith.index_cast %scan3A_141 : i32 to index
        %swap3A_166 = arith.constant 32 : index
        %swap3A_167 = tpu.vector_load %arg10[%swap3A_165, %swap3A_166] {strides = array<i32>} : memref<32x128xf32, #tpu.memory_space<vmem>>, vector<1x16xf32>,
        %swap3A_168 = vector.shape_cast %swap3A_167 : vector<1x16xf32> to vector<16xf32>
        %swap3A_169 = vector.shape_cast %sub3A_164 : vector<16xf32> to vector<1x16xf32>
        tpu.vector_store %arg10[%swap3A_165, %swap3A_166], %swap3A_169 {strides = array<i32>} : memref<32x128xf32, #tpu.memory_space<vmem>>, vector<1x16xf32>,
        %get3A_170 = arith.index_cast %scan3A_141 : i32 to index
        %get3A_171 = arith.constant 48 : index
        %get3A_172 = tpu.vector_load %arg10[%get3A_170, %get3A_171] {strides = array<i32>} : memref<32x128xf32, #tpu.memory_space<vmem>>, vector<1x16xf32>,
        %get3A_173 = vector.shape_cast %get3A_172 : vector<1x16xf32> to vector<16xf32>
        %sub3A_174 = arith.subf %get3A_173, %get3A_115 : vector<16xf32>
        %swap3A_175 = arith.index_cast %scan3A_141 : i32 to index
        %swap3A_176 = arith.constant 48 : index
        %swap3A_177 = tpu.vector_load %arg10[%swap3A_175, %swap3A_176] {strides = array<i32>} : memref<32x128xf32, #tpu.memory_space<vmem>>, vector<1x16xf32>,
        %swap3A_178 = vector.shape_cast %swap3A_177 : vector<1x16xf32> to vector<16xf32>
        %swap3A_179 = vector.shape_cast %sub3A_174 : vector<16xf32> to vector<1x16xf32>
        tpu.vector_store %arg10[%swap3A_175, %swap3A_176], %swap3A_179 {strides = array<i32>} : memref<32x128xf32, #tpu.memory_space<vmem>>, vector<1x16xf32>,
        %get3A_180 = arith.index_cast %scan3A_141 : i32 to index
        %get3A_181 = arith.constant 64 : index
        %get3A_182 = tpu.vector_load %arg10[%get3A_180, %get3A_181] {strides = array<i32>} : memref<32x128xf32, #tpu.memory_space<vmem>>, vector<1x16xf32>,
        %get3A_183 = vector.shape_cast %get3A_182 : vector<1x16xf32> to vector<16xf32>
        %sub3A_184 = arith.subf %get3A_183, %get3A_119 : vector<16xf32>
        %swap3A_185 = arith.index_cast %scan3A_141 : i32 to index
        %swap3A_186 = arith.constant 64 : index
        %swap3A_187 = tpu.vector_load %arg10[%swap3A_185, %swap3A_186] {strides = array<i32>} : memref<32x128xf32, #tpu.memory_space<vmem>>, vector<1x16xf32>,
        %swap3A_188 = vector.shape_cast %swap3A_187 : vector<1x16xf32> to vector<16xf32>
        %swap3A_189 = vector.shape_cast %sub3A_184 : vector<16xf32> to vector<1x16xf32>
        tpu.vector_store %arg10[%swap3A_185, %swap3A_186], %swap3A_189 {strides = array<i32>} : memref<32x128xf32, #tpu.memory_space<vmem>>, vector<1x16xf32>,
        %get3A_190 = arith.index_cast %scan3A_141 : i32 to index
        %get3A_191 = arith.constant 80 : index
        %get3A_192 = tpu.vector_load %arg10[%get3A_190, %get3A_191] {strides = array<i32>} : memref<32x128xf32, #tpu.memory_space<vmem>>, vector<1x16xf32>,
        %get3A_193 = vector.shape_cast %get3A_192 : vector<1x16xf32> to vector<16xf32>
        %sub3A_194 = arith.subf %get3A_193, %get3A_123 : vector<16xf32>
        %swap3A_195 = arith.index_cast %scan3A_141 : i32 to index
        %swap3A_196 = arith.constant 80 : index
        %swap3A_197 = tpu.vector_load %arg10[%swap3A_195, %swap3A_196] {strides = array<i32>} : memref<32x128xf32, #tpu.memory_space<vmem>>, vector<1x16xf32>,
        %swap3A_198 = vector.shape_cast %swap3A_197 : vector<1x16xf32> to vector<16xf32>
        %swap3A_199 = vector.shape_cast %sub3A_194 : vector<16xf32> to vector<1x16xf32>
        tpu.vector_store %arg10[%swap3A_195, %swap3A_196], %swap3A_199 {strides = array<i32>} : memref<32x128xf32, #tpu.memory_space<vmem>>, vector<1x16xf32>,
        %get3A_200 = arith.index_cast %scan3A_141 : i32 to index
        %get3A_201 = arith.constant 96 : index
        %get3A_202 = tpu.vector_load %arg10[%get3A_200, %get3A_201] {strides = array<i32>} : memref<32x128xf32, #tpu.memory_space<vmem>>, vector<1x16xf32>,
        %get3A_203 = vector.shape_cast %get3A_202 : vector<1x16xf32> to vector<16xf32>
        %sub3A_204 = arith.subf %get3A_203, %get3A_127 : vector<16xf32>
        %swap3A_205 = arith.index_cast %scan3A_141 : i32 to index
        %swap3A_206 = arith.constant 96 : index
        %swap3A_207 = tpu.vector_load %arg10[%swap3A_205, %swap3A_206] {strides = array<i32>} : memref<32x128xf32, #tpu.memory_space<vmem>>, vector<1x16xf32>,
        %swap3A_208 = vector.shape_cast %swap3A_207 : vector<1x16xf32> to vector<16xf32>
        %swap3A_209 = vector.shape_cast %sub3A_204 : vector<16xf32> to vector<1x16xf32>
        tpu.vector_store %arg10[%swap3A_205, %swap3A_206], %swap3A_209 {strides = array<i32>} : memref<32x128xf32, #tpu.memory_space<vmem>>, vector<1x16xf32>,
        %get3A_210 = arith.index_cast %scan3A_141 : i32 to index
        %get3A_211 = arith.constant 112 : index
        %get3A_212 = tpu.vector_load %arg10[%get3A_210, %get3A_211] {strides = array<i32>} : memref<32x128xf32, #tpu.memory_space<vmem>>, vector<1x16xf32>,
        %get3A_213 = vector.shape_cast %get3A_212 : vector<1x16xf32> to vector<16xf32>
        %sub3A_214 = arith.subf %get3A_213, %get3A_131 : vector<16xf32>
        %swap3A_215 = arith.index_cast %scan3A_141 : i32 to index
        %swap3A_216 = arith.constant 112 : index
        %swap3A_217 = tpu.vector_load %arg10[%swap3A_215, %swap3A_216] {strides = array<i32>} : memref<32x128xf32, #tpu.memory_space<vmem>>, vector<1x16xf32>,
        %swap3A_218 = vector.shape_cast %swap3A_217 : vector<1x16xf32> to vector<16xf32>
        %swap3A_219 = vector.shape_cast %sub3A_214 : vector<16xf32> to vector<1x16xf32>
        tpu.vector_store %arg10[%swap3A_215, %swap3A_216], %swap3A_219 {strides = array<i32>} : memref<32x128xf32, #tpu.memory_space<vmem>>, vector<1x16xf32>,
      }
      %scan3A_137 = arith.constant 32 : i32
      %add3A_138 = arith.addi %mul3A_2, %add3A_32 : i32
      %mul3A_139 = arith.constant 32 : i32
      %mul3A_140 = arith.muli %add3A_138, %mul3A_139 : i32
      "tpu.region"() ({
        %run_scoped3A = tpu.sem_alloc : memref<!tpu.dma_semaphore, #tpu.memory_space<semaphore_mem>>
        %dma_start3A_141 = arith.constant 0 : i32
        %dma_start3A_142 = tpu.memref_slice %arg5[%mul3A_140, %dma_start3A_141] : memref<131072x128xf32, #tpu.memory_space<hbm>> -> memref<32x128xf32, #tpu.memory_space<hbm>>
        %dma_start3A_143 = arith.constant 0 : i32
        %dma_start3A_144 = tpu.memref_slice %arg5[%mul3A_140, %dma_start3A_143] : memref<131072x128xf32, #tpu.memory_space<hbm>> -> memref<32x128xf32, #tpu.memory_space<hbm>>
        tpu.enqueue_dma source(%arg10 : memref<32x128xf32, #tpu.memory_space<vmem>>) target(%dma_start3A_144 : memref<32x128xf32, #tpu.memory_space<hbm>>) target_semaphore(%run_scoped3A : memref<!tpu.dma_semaphore, #tpu.memory_space<semaphore_mem>>)
        %dma_wait3A_145 = arith.constant 0 : i32
        %dma_wait3A_146 = tpu.memref_slice %arg5[%mul3A_140, %dma_wait3A_145] : memref<131072x128xf32, #tpu.memory_space<hbm>> -> memref<32x128xf32, #tpu.memory_space<hbm>>
        %dma_wait3A_147 = arith.constant 0 : i32
        %dma_wait3A_148 = tpu.memref_slice %arg5[%mul3A_140, %dma_wait3A_147] : memref<131072x128xf32, #tpu.memory_space<hbm>> -> memref<32x128xf32, #tpu.memory_space<hbm>>
        tpu.wait_dma2 semaphore(%run_scoped3A : memref<!tpu.dma_semaphore, #tpu.memory_space<semaphore_mem>>) src(%arg10 : memref<32x128xf32, #tpu.memory_space<vmem>>) dst(%dma_wait3A_148 : memref<32x128xf32, #tpu.memory_space<hbm>>)
        tpu.yield
      }) : () -> ()
    }
    %scan3A_18 = arith.constant 64 : i32
    %dma_wait3A_19 = arith.constant 127 : i32
    %dma_wait3A_20 = arith.constant 0 : i32
    %dma_wait3A_21 = tpu.memref_slice %arg6[%dma_wait3A_19, %dma_wait3A_20] : memref<128x32xi32, #tpu.memory_space<vmem>> -> memref<1x32xi32, #tpu.memory_space<vmem>>
    %dma_wait3A_22 = tpu.memref_squeeze %dma_wait3A_21 : memref<1x32xi32, #tpu.memory_space<vmem>> -> memref<32xi32, #tpu.memory_space<vmem>>
    %dma_wait3A_23 = arith.constant 0 : i32
    %dma_wait3A_24 = arith.constant 0 : i32
    %dma_wait3A_25 = tpu.memref_slice %arg2[%dma_wait3A_23, %dma_wait3A_24] : memref<32768x128xf32, #tpu.memory_space<hbm>> -> memref<32768x128xf32, #tpu.memory_space<hbm>>
    tpu.wait_indirect_dma semaphore(%arg12 : memref<!tpu.dma_semaphore, #tpu.memory_space<semaphore_mem>>) src(%dma_wait3A_25 : memref<32768x128xf32, #tpu.memory_space<hbm>>) dst(%arg9 : memref<32x128xf32, #tpu.memory_space<vmem>>)
    return
  }
}

module attributes {stable_mosaic.version = 14 : i64} {
  func.func @_topk_kernel(%arg0: i32, %arg1: i32, %arg2: memref<1x128x3xf32, #tpu.memory_space<vmem>>, %arg3: memref<1x1x8192xf32, #tpu.memory_space<vmem>>, %arg4: memref<1x1x8192xf32, #tpu.memory_space<vmem>>, %arg5: memref<1x1x8192xf32, #tpu.memory_space<vmem>>, %arg6: memref<1x128x32xi32, #tpu.memory_space<vmem>>) attributes {dimension_semantics = [#tpu.dimension_semantics<arbitrary>, #tpu.dimension_semantics<arbitrary>], iteration_bounds = array<i64: 4, 8>, scalar_prefetch = 0 : i64, scratch_operands = 0 : i64, tpu.core_type = #tpu.core_type<tc>, window_params = [{transform_indices = @transform_0, window_bounds = array<i64: 1, 128, 3>}, {transform_indices = @transform_1, window_bounds = array<i64: 1, 1, 8192>}, {transform_indices = @transform_2, window_bounds = array<i64: 1, 1, 8192>}, {transform_indices = @transform_3, window_bounds = array<i64: 1, 1, 8192>}, {transform_indices = @transform_4, window_bounds = array<i64: 1, 128, 32>}]} {
    %get3A = arith.constant 0 : index
    %get3A_0 = arith.constant 0 : index
    %get3A_1 = arith.constant 0 : index
    %get3A_2 = vector.load %arg2[%get3A, %get3A_0, %get3A_1] : memref<1x128x3xf32, #tpu.memory_space<vmem>>, vector<1x128x1xf32>
    %get3A_3 = vector.shape_cast %get3A_2 : vector<1x128x1xf32> to vector<128x1xf32>
    %get3A_4 = arith.constant 0 : index
    %get3A_5 = arith.constant 0 : index
    %get3A_6 = arith.constant 1 : index
    %get3A_7 = vector.load %arg2[%get3A_4, %get3A_5, %get3A_6] : memref<1x128x3xf32, #tpu.memory_space<vmem>>, vector<1x128x1xf32>
    %get3A_8 = vector.shape_cast %get3A_7 : vector<1x128x1xf32> to vector<128x1xf32>
    %get3A_9 = arith.constant 0 : index
    %get3A_10 = arith.constant 0 : index
    %get3A_11 = arith.constant 2 : index
    %get3A_12 = vector.load %arg2[%get3A_9, %get3A_10, %get3A_11] : memref<1x128x3xf32, #tpu.memory_space<vmem>>, vector<1x128x1xf32>
    %get3A_13 = vector.shape_cast %get3A_12 : vector<1x128x1xf32> to vector<128x1xf32>
    %get3A_14 = arith.constant 0 : index
    %get3A_15 = arith.constant 0 : index
    %get3A_16 = arith.constant 0 : index
    %get3A_17 = vector.load %arg3[%get3A_14, %get3A_15, %get3A_16] : memref<1x1x8192xf32, #tpu.memory_space<vmem>>, vector<1x1x8192xf32>
    %get3A_18 = vector.shape_cast %get3A_17 : vector<1x1x8192xf32> to vector<1x8192xf32>
    %get3A_19 = arith.constant 0 : index
    %get3A_20 = arith.constant 0 : index
    %get3A_21 = arith.constant 0 : index
    %get3A_22 = vector.load %arg4[%get3A_19, %get3A_20, %get3A_21] : memref<1x1x8192xf32, #tpu.memory_space<vmem>>, vector<1x1x8192xf32>
    %get3A_23 = vector.shape_cast %get3A_22 : vector<1x1x8192xf32> to vector<1x8192xf32>
    %get3A_24 = arith.constant 0 : index
    %get3A_25 = arith.constant 0 : index
    %get3A_26 = arith.constant 0 : index
    %get3A_27 = vector.load %arg5[%get3A_24, %get3A_25, %get3A_26] : memref<1x1x8192xf32, #tpu.memory_space<vmem>>, vector<1x1x8192xf32>
    %get3A_28 = vector.shape_cast %get3A_27 : vector<1x1x8192xf32> to vector<1x8192xf32>
    %mul3A = arith.mulf %get3A_18, %get3A_18 : vector<1x8192xf32>
    %mul3A_29 = arith.mulf %get3A_23, %get3A_23 : vector<1x8192xf32>
    %add3A = arith.addf %mul3A, %mul3A_29 : vector<1x8192xf32>
    %mul3A_30 = arith.mulf %get3A_28, %get3A_28 : vector<1x8192xf32>
    %add3A_31 = arith.addf %add3A, %mul3A_30 : vector<1x8192xf32>
    %mul3A_32 = arith.mulf %get3A_3, %get3A_3 : vector<128x1xf32>
    %mul3A_33 = arith.mulf %get3A_8, %get3A_8 : vector<128x1xf32>
    %add3A_34 = arith.addf %mul3A_32, %mul3A_33 : vector<128x1xf32>
    %mul3A_35 = arith.mulf %get3A_13, %get3A_13 : vector<128x1xf32>
    %add3A_36 = arith.addf %add3A_34, %mul3A_35 : vector<128x1xf32>
    %bitcast_convert_type3A = tpu.bitcast %get3A_3 : vector<128x1xf32> -> vector<128x1xi32>
    %shift_right_logical3A = arith.constant 16 : i32
    %shift_right_logical3A_37 = vector.broadcast %shift_right_logical3A : i32 to vector<128x1xi32>
    %shift_right_logical3A_38 = arith.shrui %bitcast_convert_type3A, %shift_right_logical3A_37 : vector<128x1xi32>
    %and3A = arith.constant 1 : i32
    %and3A_39 = vector.broadcast %and3A : i32 to vector<128x1xi32>
    %and3A_40 = arith.andi %shift_right_logical3A_38, %and3A_39 : vector<128x1xi32>
    %add3A_41 = arith.constant 32767 : i32
    %add3A_42 = vector.broadcast %add3A_41 : i32 to vector<128x1xi32>
    %add3A_43 = arith.addi %and3A_40, %add3A_42 : vector<128x1xi32>
    %add3A_44 = arith.addi %bitcast_convert_type3A, %add3A_43 : vector<128x1xi32>
    %and3A_45 = arith.constant -65536 : i32
    %and3A_46 = vector.broadcast %and3A_45 : i32 to vector<128x1xi32>
    %and3A_47 = arith.andi %add3A_44, %and3A_46 : vector<128x1xi32>
    %bitcast_convert_type3A_48 = tpu.bitcast %and3A_47 : vector<128x1xi32> -> vector<128x1xf32>
    %bitcast_convert_type3A_49 = tpu.bitcast %get3A_18 : vector<1x8192xf32> -> vector<1x8192xi32>
    %shift_right_logical3A_50 = arith.constant 16 : i32
    %shift_right_logical3A_51 = vector.broadcast %shift_right_logical3A_50 : i32 to vector<1x8192xi32>
    %shift_right_logical3A_52 = arith.shrui %bitcast_convert_type3A_49, %shift_right_logical3A_51 : vector<1x8192xi32>
    %and3A_53 = arith.constant 1 : i32
    %and3A_54 = vector.broadcast %and3A_53 : i32 to vector<1x8192xi32>
    %and3A_55 = arith.andi %shift_right_logical3A_52, %and3A_54 : vector<1x8192xi32>
    %add3A_56 = arith.constant 32767 : i32
    %add3A_57 = vector.broadcast %add3A_56 : i32 to vector<1x8192xi32>
    %add3A_58 = arith.addi %and3A_55, %add3A_57 : vector<1x8192xi32>
    %add3A_59 = arith.addi %bitcast_convert_type3A_49, %add3A_58 : vector<1x8192xi32>
    %and3A_60 = arith.constant -65536 : i32
    %and3A_61 = vector.broadcast %and3A_60 : i32 to vector<1x8192xi32>
    %and3A_62 = arith.andi %add3A_59, %and3A_61 : vector<1x8192xi32>
    %bitcast_convert_type3A_63 = tpu.bitcast %and3A_62 : vector<1x8192xi32> -> vector<1x8192xf32>
    %mul3A_64 = vector.broadcast %bitcast_convert_type3A_48 : vector<128x1xf32> to vector<128x8192xf32>
    %mul3A_65 = vector.broadcast %bitcast_convert_type3A_63 : vector<1x8192xf32> to vector<128x8192xf32>
    %mul3A_66 = arith.mulf %mul3A_64, %mul3A_65 : vector<128x8192xf32>
    %bitcast_convert_type3A_67 = tpu.bitcast %get3A_8 : vector<128x1xf32> -> vector<128x1xi32>
    %shift_right_logical3A_68 = arith.constant 16 : i32
    %shift_right_logical3A_69 = vector.broadcast %shift_right_logical3A_68 : i32 to vector<128x1xi32>
    %shift_right_logical3A_70 = arith.shrui %bitcast_convert_type3A_67, %shift_right_logical3A_69 : vector<128x1xi32>
    %and3A_71 = arith.constant 1 : i32
    %and3A_72 = vector.broadcast %and3A_71 : i32 to vector<128x1xi32>
    %and3A_73 = arith.andi %shift_right_logical3A_70, %and3A_72 : vector<128x1xi32>
    %add3A_74 = arith.constant 32767 : i32
    %add3A_75 = vector.broadcast %add3A_74 : i32 to vector<128x1xi32>
    %add3A_76 = arith.addi %and3A_73, %add3A_75 : vector<128x1xi32>
    %add3A_77 = arith.addi %bitcast_convert_type3A_67, %add3A_76 : vector<128x1xi32>
    %and3A_78 = arith.constant -65536 : i32
    %and3A_79 = vector.broadcast %and3A_78 : i32 to vector<128x1xi32>
    %and3A_80 = arith.andi %add3A_77, %and3A_79 : vector<128x1xi32>
    %bitcast_convert_type3A_81 = tpu.bitcast %and3A_80 : vector<128x1xi32> -> vector<128x1xf32>
    %bitcast_convert_type3A_82 = tpu.bitcast %get3A_23 : vector<1x8192xf32> -> vector<1x8192xi32>
    %shift_right_logical3A_83 = arith.constant 16 : i32
    %shift_right_logical3A_84 = vector.broadcast %shift_right_logical3A_83 : i32 to vector<1x8192xi32>
    %shift_right_logical3A_85 = arith.shrui %bitcast_convert_type3A_82, %shift_right_logical3A_84 : vector<1x8192xi32>
    %and3A_86 = arith.constant 1 : i32
    %and3A_87 = vector.broadcast %and3A_86 : i32 to vector<1x8192xi32>
    %and3A_88 = arith.andi %shift_right_logical3A_85, %and3A_87 : vector<1x8192xi32>
    %add3A_89 = arith.constant 32767 : i32
    %add3A_90 = vector.broadcast %add3A_89 : i32 to vector<1x8192xi32>
    %add3A_91 = arith.addi %and3A_88, %add3A_90 : vector<1x8192xi32>
    %add3A_92 = arith.addi %bitcast_convert_type3A_82, %add3A_91 : vector<1x8192xi32>
    %and3A_93 = arith.constant -65536 : i32
    %and3A_94 = vector.broadcast %and3A_93 : i32 to vector<1x8192xi32>
    %and3A_95 = arith.andi %add3A_92, %and3A_94 : vector<1x8192xi32>
    %bitcast_convert_type3A_96 = tpu.bitcast %and3A_95 : vector<1x8192xi32> -> vector<1x8192xf32>
    %mul3A_97 = vector.broadcast %bitcast_convert_type3A_81 : vector<128x1xf32> to vector<128x8192xf32>
    %mul3A_98 = vector.broadcast %bitcast_convert_type3A_96 : vector<1x8192xf32> to vector<128x8192xf32>
    %mul3A_99 = arith.mulf %mul3A_97, %mul3A_98 : vector<128x8192xf32>
    %add3A_100 = arith.addf %mul3A_66, %mul3A_99 : vector<128x8192xf32>
    %bitcast_convert_type3A_101 = tpu.bitcast %get3A_13 : vector<128x1xf32> -> vector<128x1xi32>
    %shift_right_logical3A_102 = arith.constant 16 : i32
    %shift_right_logical3A_103 = vector.broadcast %shift_right_logical3A_102 : i32 to vector<128x1xi32>
    %shift_right_logical3A_104 = arith.shrui %bitcast_convert_type3A_101, %shift_right_logical3A_103 : vector<128x1xi32>
    %and3A_105 = arith.constant 1 : i32
    %and3A_106 = vector.broadcast %and3A_105 : i32 to vector<128x1xi32>
    %and3A_107 = arith.andi %shift_right_logical3A_104, %and3A_106 : vector<128x1xi32>
    %add3A_108 = arith.constant 32767 : i32
    %add3A_109 = vector.broadcast %add3A_108 : i32 to vector<128x1xi32>
    %add3A_110 = arith.addi %and3A_107, %add3A_109 : vector<128x1xi32>
    %add3A_111 = arith.addi %bitcast_convert_type3A_101, %add3A_110 : vector<128x1xi32>
    %and3A_112 = arith.constant -65536 : i32
    %and3A_113 = vector.broadcast %and3A_112 : i32 to vector<128x1xi32>
    %and3A_114 = arith.andi %add3A_111, %and3A_113 : vector<128x1xi32>
    %bitcast_convert_type3A_115 = tpu.bitcast %and3A_114 : vector<128x1xi32> -> vector<128x1xf32>
    %bitcast_convert_type3A_116 = tpu.bitcast %get3A_28 : vector<1x8192xf32> -> vector<1x8192xi32>
    %shift_right_logical3A_117 = arith.constant 16 : i32
    %shift_right_logical3A_118 = vector.broadcast %shift_right_logical3A_117 : i32 to vector<1x8192xi32>
    %shift_right_logical3A_119 = arith.shrui %bitcast_convert_type3A_116, %shift_right_logical3A_118 : vector<1x8192xi32>
    %and3A_120 = arith.constant 1 : i32
    %and3A_121 = vector.broadcast %and3A_120 : i32 to vector<1x8192xi32>
    %and3A_122 = arith.andi %shift_right_logical3A_119, %and3A_121 : vector<1x8192xi32>
    %add3A_123 = arith.constant 32767 : i32
    %add3A_124 = vector.broadcast %add3A_123 : i32 to vector<1x8192xi32>
    %add3A_125 = arith.addi %and3A_122, %add3A_124 : vector<1x8192xi32>
    %add3A_126 = arith.addi %bitcast_convert_type3A_116, %add3A_125 : vector<1x8192xi32>
    %and3A_127 = arith.constant -65536 : i32
    %and3A_128 = vector.broadcast %and3A_127 : i32 to vector<1x8192xi32>
    %and3A_129 = arith.andi %add3A_126, %and3A_128 : vector<1x8192xi32>
    %bitcast_convert_type3A_130 = tpu.bitcast %and3A_129 : vector<1x8192xi32> -> vector<1x8192xf32>
    %mul3A_131 = vector.broadcast %bitcast_convert_type3A_115 : vector<128x1xf32> to vector<128x8192xf32>
    %mul3A_132 = vector.broadcast %bitcast_convert_type3A_130 : vector<1x8192xf32> to vector<128x8192xf32>
    %mul3A_133 = arith.mulf %mul3A_131, %mul3A_132 : vector<128x8192xf32>
    %add3A_134 = arith.addf %add3A_100, %mul3A_133 : vector<128x8192xf32>
    %mul3A_135 = arith.constant -2.000000e+00 : f32
    %mul3A_136 = vector.broadcast %mul3A_135 : f32 to vector<128x8192xf32>
    %mul3A_137 = arith.mulf %mul3A_136, %add3A_134 : vector<128x8192xf32>
    %add3A_138 = vector.broadcast %add3A_36 : vector<128x1xf32> to vector<128x8192xf32>
    %add3A_139 = arith.addf %mul3A_137, %add3A_138 : vector<128x8192xf32>
    %add3A_140 = vector.broadcast %add3A_31 : vector<1x8192xf32> to vector<128x8192xf32>
    %add3A_141 = arith.addf %add3A_139, %add3A_140 : vector<128x8192xf32>
    %iota3A = tpu.iota {dimensions = array<i32: 1>} : vector<128x8192xi32>
    %convert_element_type3A = arith.sitofp %iota3A : vector<128x8192xi32> to vector<128x8192xf32>
    %reduce_min3A = arith.constant dense<0x7F800000> : vector<128xf32>
    %reduce_min3A_142 = vector.multi_reduction <minimumf>, %add3A_141, %reduce_min3A [1] : vector<128x8192xf32> to vector<128xf32>
    %broadcast_in_dim3A = vector.shape_cast %reduce_min3A_142 : vector<128xf32> to vector<128x1xf32>
    %eq3A = vector.broadcast %broadcast_in_dim3A : vector<128x1xf32> to vector<128x8192xf32>
    %eq3A_143 = arith.cmpf oeq, %add3A_141, %eq3A : vector<128x8192xf32>
    %jit3A = arith.constant 8.192000e+03 : f32
    %broadcast_in_dim3A_144 = vector.broadcast %jit3A : f32 to vector<128x8192xf32>
    %select_n3A = arith.select %eq3A_143, %convert_element_type3A, %broadcast_in_dim3A_144 : vector<128x8192xi1>, vector<128x8192xf32>
    %reduce_min3A_145 = arith.constant dense<0x7F800000> : vector<128xf32>
    %reduce_min3A_146 = vector.multi_reduction <minimumf>, %select_n3A, %reduce_min3A_145 [1] : vector<128x8192xf32> to vector<128xf32>
    %broadcast_in_dim3A_147 = vector.shape_cast %reduce_min3A_146 : vector<128xf32> to vector<128x1xf32>
    %eq3A_148 = vector.broadcast %broadcast_in_dim3A_147 : vector<128x1xf32> to vector<128x8192xf32>
    %eq3A_149 = arith.cmpf oeq, %convert_element_type3A, %eq3A_148 : vector<128x8192xf32>
    %jit3A_150 = arith.constant 3.000000e+38 : f32
    %broadcast_in_dim3A_151 = vector.broadcast %jit3A_150 : f32 to vector<128x8192xf32>
    %select_n3A_152 = arith.select %eq3A_149, %broadcast_in_dim3A_151, %add3A_141 : vector<128x8192xi1>, vector<128x8192xf32>
    %reduce_min3A_153 = arith.constant dense<0x7F800000> : vector<128xf32>
    %reduce_min3A_154 = vector.multi_reduction <minimumf>, %select_n3A_152, %reduce_min3A_153 [1] : vector<128x8192xf32> to vector<128xf32>
    %broadcast_in_dim3A_155 = vector.shape_cast %reduce_min3A_154 : vector<128xf32> to vector<128x1xf32>
    %eq3A_156 = vector.broadcast %broadcast_in_dim3A_155 : vector<128x1xf32> to vector<128x8192xf32>
    %eq3A_157 = arith.cmpf oeq, %select_n3A_152, %eq3A_156 : vector<128x8192xf32>
    %jit3A_158 = arith.constant 8.192000e+03 : f32
    %broadcast_in_dim3A_159 = vector.broadcast %jit3A_158 : f32 to vector<128x8192xf32>
    %select_n3A_160 = arith.select %eq3A_157, %convert_element_type3A, %broadcast_in_dim3A_159 : vector<128x8192xi1>, vector<128x8192xf32>
    %reduce_min3A_161 = arith.constant dense<0x7F800000> : vector<128xf32>
    %reduce_min3A_162 = vector.multi_reduction <minimumf>, %select_n3A_160, %reduce_min3A_161 [1] : vector<128x8192xf32> to vector<128xf32>
    %broadcast_in_dim3A_163 = vector.shape_cast %reduce_min3A_162 : vector<128xf32> to vector<128x1xf32>
    %eq3A_164 = vector.broadcast %broadcast_in_dim3A_163 : vector<128x1xf32> to vector<128x8192xf32>
    %eq3A_165 = arith.cmpf oeq, %convert_element_type3A, %eq3A_164 : vector<128x8192xf32>
    %jit3A_166 = arith.constant 3.000000e+38 : f32
    %broadcast_in_dim3A_167 = vector.broadcast %jit3A_166 : f32 to vector<128x8192xf32>
    %select_n3A_168 = arith.select %eq3A_165, %broadcast_in_dim3A_167, %select_n3A_152 : vector<128x8192xi1>, vector<128x8192xf32>
    %reduce_min3A_169 = arith.constant dense<0x7F800000> : vector<128xf32>
    %reduce_min3A_170 = vector.multi_reduction <minimumf>, %select_n3A_168, %reduce_min3A_169 [1] : vector<128x8192xf32> to vector<128xf32>
    %broadcast_in_dim3A_171 = vector.shape_cast %reduce_min3A_170 : vector<128xf32> to vector<128x1xf32>
    %eq3A_172 = vector.broadcast %broadcast_in_dim3A_171 : vector<128x1xf32> to vector<128x8192xf32>
    %eq3A_173 = arith.cmpf oeq, %select_n3A_168, %eq3A_172 : vector<128x8192xf32>
    %jit3A_174 = arith.constant 8.192000e+03 : f32
    %broadcast_in_dim3A_175 = vector.broadcast %jit3A_174 : f32 to vector<128x8192xf32>
    %select_n3A_176 = arith.select %eq3A_173, %convert_element_type3A, %broadcast_in_dim3A_175 : vector<128x8192xi1>, vector<128x8192xf32>
    %reduce_min3A_177 = arith.constant dense<0x7F800000> : vector<128xf32>
    %reduce_min3A_178 = vector.multi_reduction <minimumf>, %select_n3A_176, %reduce_min3A_177 [1] : vector<128x8192xf32> to vector<128xf32>
    %broadcast_in_dim3A_179 = vector.shape_cast %reduce_min3A_178 : vector<128xf32> to vector<128x1xf32>
    %eq3A_180 = vector.broadcast %broadcast_in_dim3A_179 : vector<128x1xf32> to vector<128x8192xf32>
    %eq3A_181 = arith.cmpf oeq, %convert_element_type3A, %eq3A_180 : vector<128x8192xf32>
    %jit3A_182 = arith.constant 3.000000e+38 : f32
    %broadcast_in_dim3A_183 = vector.broadcast %jit3A_182 : f32 to vector<128x8192xf32>
    %select_n3A_184 = arith.select %eq3A_181, %broadcast_in_dim3A_183, %select_n3A_168 : vector<128x8192xi1>, vector<128x8192xf32>
    %reduce_min3A_185 = arith.constant dense<0x7F800000> : vector<128xf32>
    %reduce_min3A_186 = vector.multi_reduction <minimumf>, %select_n3A_184, %reduce_min3A_185 [1] : vector<128x8192xf32> to vector<128xf32>
    %broadcast_in_dim3A_187 = vector.shape_cast %reduce_min3A_186 : vector<128xf32> to vector<128x1xf32>
    %eq3A_188 = vector.broadcast %broadcast_in_dim3A_187 : vector<128x1xf32> to vector<128x8192xf32>
    %eq3A_189 = arith.cmpf oeq, %select_n3A_184, %eq3A_188 : vector<128x8192xf32>
    %jit3A_190 = arith.constant 8.192000e+03 : f32
    %broadcast_in_dim3A_191 = vector.broadcast %jit3A_190 : f32 to vector<128x8192xf32>
    %select_n3A_192 = arith.select %eq3A_189, %convert_element_type3A, %broadcast_in_dim3A_191 : vector<128x8192xi1>, vector<128x8192xf32>
    %reduce_min3A_193 = arith.constant dense<0x7F800000> : vector<128xf32>
    %reduce_min3A_194 = vector.multi_reduction <minimumf>, %select_n3A_192, %reduce_min3A_193 [1] : vector<128x8192xf32> to vector<128xf32>
    %broadcast_in_dim3A_195 = vector.shape_cast %reduce_min3A_194 : vector<128xf32> to vector<128x1xf32>
    %eq3A_196 = vector.broadcast %broadcast_in_dim3A_195 : vector<128x1xf32> to vector<128x8192xf32>
    %eq3A_197 = arith.cmpf oeq, %convert_element_type3A, %eq3A_196 : vector<128x8192xf32>
    %jit3A_198 = arith.constant 3.000000e+38 : f32
    %broadcast_in_dim3A_199 = vector.broadcast %jit3A_198 : f32 to vector<128x8192xf32>
    %select_n3A_200 = arith.select %eq3A_197, %broadcast_in_dim3A_199, %select_n3A_184 : vector<128x8192xi1>, vector<128x8192xf32>
    %reduce_min3A_201 = arith.constant dense<0x7F800000> : vector<128xf32>
    %reduce_min3A_202 = vector.multi_reduction <minimumf>, %select_n3A_200, %reduce_min3A_201 [1] : vector<128x8192xf32> to vector<128xf32>
    %broadcast_in_dim3A_203 = vector.shape_cast %reduce_min3A_202 : vector<128xf32> to vector<128x1xf32>
    %eq3A_204 = vector.broadcast %broadcast_in_dim3A_203 : vector<128x1xf32> to vector<128x8192xf32>
    %eq3A_205 = arith.cmpf oeq, %select_n3A_200, %eq3A_204 : vector<128x8192xf32>
    %jit3A_206 = arith.constant 8.192000e+03 : f32
    %broadcast_in_dim3A_207 = vector.broadcast %jit3A_206 : f32 to vector<128x8192xf32>
    %select_n3A_208 = arith.select %eq3A_205, %convert_element_type3A, %broadcast_in_dim3A_207 : vector<128x8192xi1>, vector<128x8192xf32>
    %reduce_min3A_209 = arith.constant dense<0x7F800000> : vector<128xf32>
    %reduce_min3A_210 = vector.multi_reduction <minimumf>, %select_n3A_208, %reduce_min3A_209 [1] : vector<128x8192xf32> to vector<128xf32>
    %broadcast_in_dim3A_211 = vector.shape_cast %reduce_min3A_210 : vector<128xf32> to vector<128x1xf32>
    %eq3A_212 = vector.broadcast %broadcast_in_dim3A_211 : vector<128x1xf32> to vector<128x8192xf32>
    %eq3A_213 = arith.cmpf oeq, %convert_element_type3A, %eq3A_212 : vector<128x8192xf32>
    %jit3A_214 = arith.constant 3.000000e+38 : f32
    %broadcast_in_dim3A_215 = vector.broadcast %jit3A_214 : f32 to vector<128x8192xf32>
    %select_n3A_216 = arith.select %eq3A_213, %broadcast_in_dim3A_215, %select_n3A_200 : vector<128x8192xi1>, vector<128x8192xf32>
    %reduce_min3A_217 = arith.constant dense<0x7F800000> : vector<128xf32>
    %reduce_min3A_218 = vector.multi_reduction <minimumf>, %select_n3A_216, %reduce_min3A_217 [1] : vector<128x8192xf32> to vector<128xf32>
    %broadcast_in_dim3A_219 = vector.shape_cast %reduce_min3A_218 : vector<128xf32> to vector<128x1xf32>
    %eq3A_220 = vector.broadcast %broadcast_in_dim3A_219 : vector<128x1xf32> to vector<128x8192xf32>
    %eq3A_221 = arith.cmpf oeq, %select_n3A_216, %eq3A_220 : vector<128x8192xf32>
    %jit3A_222 = arith.constant 8.192000e+03 : f32
    %broadcast_in_dim3A_223 = vector.broadcast %jit3A_222 : f32 to vector<128x8192xf32>
    %select_n3A_224 = arith.select %eq3A_221, %convert_element_type3A, %broadcast_in_dim3A_223 : vector<128x8192xi1>, vector<128x8192xf32>
    %reduce_min3A_225 = arith.constant dense<0x7F800000> : vector<128xf32>
    %reduce_min3A_226 = vector.multi_reduction <minimumf>, %select_n3A_224, %reduce_min3A_225 [1] : vector<128x8192xf32> to vector<128xf32>
    %broadcast_in_dim3A_227 = vector.shape_cast %reduce_min3A_226 : vector<128xf32> to vector<128x1xf32>
    %eq3A_228 = vector.broadcast %broadcast_in_dim3A_227 : vector<128x1xf32> to vector<128x8192xf32>
    %eq3A_229 = arith.cmpf oeq, %convert_element_type3A, %eq3A_228 : vector<128x8192xf32>
    %jit3A_230 = arith.constant 3.000000e+38 : f32
    %broadcast_in_dim3A_231 = vector.broadcast %jit3A_230 : f32 to vector<128x8192xf32>
    %select_n3A_232 = arith.select %eq3A_229, %broadcast_in_dim3A_231, %select_n3A_216 : vector<128x8192xi1>, vector<128x8192xf32>
    %reduce_min3A_233 = arith.constant dense<0x7F800000> : vector<128xf32>
    %reduce_min3A_234 = vector.multi_reduction <minimumf>, %select_n3A_232, %reduce_min3A_233 [1] : vector<128x8192xf32> to vector<128xf32>
    %broadcast_in_dim3A_235 = vector.shape_cast %reduce_min3A_234 : vector<128xf32> to vector<128x1xf32>
    %eq3A_236 = vector.broadcast %broadcast_in_dim3A_235 : vector<128x1xf32> to vector<128x8192xf32>
    %eq3A_237 = arith.cmpf oeq, %select_n3A_232, %eq3A_236 : vector<128x8192xf32>
    %jit3A_238 = arith.constant 8.192000e+03 : f32
    %broadcast_in_dim3A_239 = vector.broadcast %jit3A_238 : f32 to vector<128x8192xf32>
    %select_n3A_240 = arith.select %eq3A_237, %convert_element_type3A, %broadcast_in_dim3A_239 : vector<128x8192xi1>, vector<128x8192xf32>
    %reduce_min3A_241 = arith.constant dense<0x7F800000> : vector<128xf32>
    %reduce_min3A_242 = vector.multi_reduction <minimumf>, %select_n3A_240, %reduce_min3A_241 [1] : vector<128x8192xf32> to vector<128xf32>
    %broadcast_in_dim3A_243 = vector.shape_cast %reduce_min3A_242 : vector<128xf32> to vector<128x1xf32>
    %eq3A_244 = vector.broadcast %broadcast_in_dim3A_243 : vector<128x1xf32> to vector<128x8192xf32>
    %eq3A_245 = arith.cmpf oeq, %convert_element_type3A, %eq3A_244 : vector<128x8192xf32>
    %jit3A_246 = arith.constant 3.000000e+38 : f32
    %broadcast_in_dim3A_247 = vector.broadcast %jit3A_246 : f32 to vector<128x8192xf32>
    %select_n3A_248 = arith.select %eq3A_245, %broadcast_in_dim3A_247, %select_n3A_232 : vector<128x8192xi1>, vector<128x8192xf32>
    %reduce_min3A_249 = arith.constant dense<0x7F800000> : vector<128xf32>
    %reduce_min3A_250 = vector.multi_reduction <minimumf>, %select_n3A_248, %reduce_min3A_249 [1] : vector<128x8192xf32> to vector<128xf32>
    %broadcast_in_dim3A_251 = vector.shape_cast %reduce_min3A_250 : vector<128xf32> to vector<128x1xf32>
    %eq3A_252 = vector.broadcast %broadcast_in_dim3A_251 : vector<128x1xf32> to vector<128x8192xf32>
    %eq3A_253 = arith.cmpf oeq, %select_n3A_248, %eq3A_252 : vector<128x8192xf32>
    %jit3A_254 = arith.constant 8.192000e+03 : f32
    %broadcast_in_dim3A_255 = vector.broadcast %jit3A_254 : f32 to vector<128x8192xf32>
    %select_n3A_256 = arith.select %eq3A_253, %convert_element_type3A, %broadcast_in_dim3A_255 : vector<128x8192xi1>, vector<128x8192xf32>
    %reduce_min3A_257 = arith.constant dense<0x7F800000> : vector<128xf32>
    %reduce_min3A_258 = vector.multi_reduction <minimumf>, %select_n3A_256, %reduce_min3A_257 [1] : vector<128x8192xf32> to vector<128xf32>
    %broadcast_in_dim3A_259 = vector.shape_cast %reduce_min3A_258 : vector<128xf32> to vector<128x1xf32>
    %eq3A_260 = vector.broadcast %broadcast_in_dim3A_259 : vector<128x1xf32> to vector<128x8192xf32>
    %eq3A_261 = arith.cmpf oeq, %convert_element_type3A, %eq3A_260 : vector<128x8192xf32>
    %jit3A_262 = arith.constant 3.000000e+38 : f32
    %broadcast_in_dim3A_263 = vector.broadcast %jit3A_262 : f32 to vector<128x8192xf32>
    %select_n3A_264 = arith.select %eq3A_261, %broadcast_in_dim3A_263, %select_n3A_248 : vector<128x8192xi1>, vector<128x8192xf32>
    %reduce_min3A_265 = arith.constant dense<0x7F800000> : vector<128xf32>
    %reduce_min3A_266 = vector.multi_reduction <minimumf>, %select_n3A_264, %reduce_min3A_265 [1] : vector<128x8192xf32> to vector<128xf32>
    %broadcast_in_dim3A_267 = vector.shape_cast %reduce_min3A_266 : vector<128xf32> to vector<128x1xf32>
    %eq3A_268 = vector.broadcast %broadcast_in_dim3A_267 : vector<128x1xf32> to vector<128x8192xf32>
    %eq3A_269 = arith.cmpf oeq, %select_n3A_264, %eq3A_268 : vector<128x8192xf32>
    %jit3A_270 = arith.constant 8.192000e+03 : f32
    %broadcast_in_dim3A_271 = vector.broadcast %jit3A_270 : f32 to vector<128x8192xf32>
    %select_n3A_272 = arith.select %eq3A_269, %convert_element_type3A, %broadcast_in_dim3A_271 : vector<128x8192xi1>, vector<128x8192xf32>
    %reduce_min3A_273 = arith.constant dense<0x7F800000> : vector<128xf32>
    %reduce_min3A_274 = vector.multi_reduction <minimumf>, %select_n3A_272, %reduce_min3A_273 [1] : vector<128x8192xf32> to vector<128xf32>
    %broadcast_in_dim3A_275 = vector.shape_cast %reduce_min3A_274 : vector<128xf32> to vector<128x1xf32>
    %eq3A_276 = vector.broadcast %broadcast_in_dim3A_275 : vector<128x1xf32> to vector<128x8192xf32>
    %eq3A_277 = arith.cmpf oeq, %convert_element_type3A, %eq3A_276 : vector<128x8192xf32>
    %jit3A_278 = arith.constant 3.000000e+38 : f32
    %broadcast_in_dim3A_279 = vector.broadcast %jit3A_278 : f32 to vector<128x8192xf32>
    %select_n3A_280 = arith.select %eq3A_277, %broadcast_in_dim3A_279, %select_n3A_264 : vector<128x8192xi1>, vector<128x8192xf32>
    %reduce_min3A_281 = arith.constant dense<0x7F800000> : vector<128xf32>
    %reduce_min3A_282 = vector.multi_reduction <minimumf>, %select_n3A_280, %reduce_min3A_281 [1] : vector<128x8192xf32> to vector<128xf32>
    %broadcast_in_dim3A_283 = vector.shape_cast %reduce_min3A_282 : vector<128xf32> to vector<128x1xf32>
    %eq3A_284 = vector.broadcast %broadcast_in_dim3A_283 : vector<128x1xf32> to vector<128x8192xf32>
    %eq3A_285 = arith.cmpf oeq, %select_n3A_280, %eq3A_284 : vector<128x8192xf32>
    %jit3A_286 = arith.constant 8.192000e+03 : f32
    %broadcast_in_dim3A_287 = vector.broadcast %jit3A_286 : f32 to vector<128x8192xf32>
    %select_n3A_288 = arith.select %eq3A_285, %convert_element_type3A, %broadcast_in_dim3A_287 : vector<128x8192xi1>, vector<128x8192xf32>
    %reduce_min3A_289 = arith.constant dense<0x7F800000> : vector<128xf32>
    %reduce_min3A_290 = vector.multi_reduction <minimumf>, %select_n3A_288, %reduce_min3A_289 [1] : vector<128x8192xf32> to vector<128xf32>
    %broadcast_in_dim3A_291 = vector.shape_cast %reduce_min3A_290 : vector<128xf32> to vector<128x1xf32>
    %eq3A_292 = vector.broadcast %broadcast_in_dim3A_291 : vector<128x1xf32> to vector<128x8192xf32>
    %eq3A_293 = arith.cmpf oeq, %convert_element_type3A, %eq3A_292 : vector<128x8192xf32>
    %jit3A_294 = arith.constant 3.000000e+38 : f32
    %broadcast_in_dim3A_295 = vector.broadcast %jit3A_294 : f32 to vector<128x8192xf32>
    %select_n3A_296 = arith.select %eq3A_293, %broadcast_in_dim3A_295, %select_n3A_280 : vector<128x8192xi1>, vector<128x8192xf32>
    %reduce_min3A_297 = arith.constant dense<0x7F800000> : vector<128xf32>
    %reduce_min3A_298 = vector.multi_reduction <minimumf>, %select_n3A_296, %reduce_min3A_297 [1] : vector<128x8192xf32> to vector<128xf32>
    %broadcast_in_dim3A_299 = vector.shape_cast %reduce_min3A_298 : vector<128xf32> to vector<128x1xf32>
    %eq3A_300 = vector.broadcast %broadcast_in_dim3A_299 : vector<128x1xf32> to vector<128x8192xf32>
    %eq3A_301 = arith.cmpf oeq, %select_n3A_296, %eq3A_300 : vector<128x8192xf32>
    %jit3A_302 = arith.constant 8.192000e+03 : f32
    %broadcast_in_dim3A_303 = vector.broadcast %jit3A_302 : f32 to vector<128x8192xf32>
    %select_n3A_304 = arith.select %eq3A_301, %convert_element_type3A, %broadcast_in_dim3A_303 : vector<128x8192xi1>, vector<128x8192xf32>
    %reduce_min3A_305 = arith.constant dense<0x7F800000> : vector<128xf32>
    %reduce_min3A_306 = vector.multi_reduction <minimumf>, %select_n3A_304, %reduce_min3A_305 [1] : vector<128x8192xf32> to vector<128xf32>
    %broadcast_in_dim3A_307 = vector.shape_cast %reduce_min3A_306 : vector<128xf32> to vector<128x1xf32>
    %eq3A_308 = vector.broadcast %broadcast_in_dim3A_307 : vector<128x1xf32> to vector<128x8192xf32>
    %eq3A_309 = arith.cmpf oeq, %convert_element_type3A, %eq3A_308 : vector<128x8192xf32>
    %jit3A_310 = arith.constant 3.000000e+38 : f32
    %broadcast_in_dim3A_311 = vector.broadcast %jit3A_310 : f32 to vector<128x8192xf32>
    %select_n3A_312 = arith.select %eq3A_309, %broadcast_in_dim3A_311, %select_n3A_296 : vector<128x8192xi1>, vector<128x8192xf32>
    %reduce_min3A_313 = arith.constant dense<0x7F800000> : vector<128xf32>
    %reduce_min3A_314 = vector.multi_reduction <minimumf>, %select_n3A_312, %reduce_min3A_313 [1] : vector<128x8192xf32> to vector<128xf32>
    %broadcast_in_dim3A_315 = vector.shape_cast %reduce_min3A_314 : vector<128xf32> to vector<128x1xf32>
    %eq3A_316 = vector.broadcast %broadcast_in_dim3A_315 : vector<128x1xf32> to vector<128x8192xf32>
    %eq3A_317 = arith.cmpf oeq, %select_n3A_312, %eq3A_316 : vector<128x8192xf32>
    %jit3A_318 = arith.constant 8.192000e+03 : f32
    %broadcast_in_dim3A_319 = vector.broadcast %jit3A_318 : f32 to vector<128x8192xf32>
    %select_n3A_320 = arith.select %eq3A_317, %convert_element_type3A, %broadcast_in_dim3A_319 : vector<128x8192xi1>, vector<128x8192xf32>
    %reduce_min3A_321 = arith.constant dense<0x7F800000> : vector<128xf32>
    %reduce_min3A_322 = vector.multi_reduction <minimumf>, %select_n3A_320, %reduce_min3A_321 [1] : vector<128x8192xf32> to vector<128xf32>
    %broadcast_in_dim3A_323 = vector.shape_cast %reduce_min3A_322 : vector<128xf32> to vector<128x1xf32>
    %eq3A_324 = vector.broadcast %broadcast_in_dim3A_323 : vector<128x1xf32> to vector<128x8192xf32>
    %eq3A_325 = arith.cmpf oeq, %convert_element_type3A, %eq3A_324 : vector<128x8192xf32>
    %jit3A_326 = arith.constant 3.000000e+38 : f32
    %broadcast_in_dim3A_327 = vector.broadcast %jit3A_326 : f32 to vector<128x8192xf32>
    %select_n3A_328 = arith.select %eq3A_325, %broadcast_in_dim3A_327, %select_n3A_312 : vector<128x8192xi1>, vector<128x8192xf32>
    %reduce_min3A_329 = arith.constant dense<0x7F800000> : vector<128xf32>
    %reduce_min3A_330 = vector.multi_reduction <minimumf>, %select_n3A_328, %reduce_min3A_329 [1] : vector<128x8192xf32> to vector<128xf32>
    %broadcast_in_dim3A_331 = vector.shape_cast %reduce_min3A_330 : vector<128xf32> to vector<128x1xf32>
    %eq3A_332 = vector.broadcast %broadcast_in_dim3A_331 : vector<128x1xf32> to vector<128x8192xf32>
    %eq3A_333 = arith.cmpf oeq, %select_n3A_328, %eq3A_332 : vector<128x8192xf32>
    %jit3A_334 = arith.constant 8.192000e+03 : f32
    %broadcast_in_dim3A_335 = vector.broadcast %jit3A_334 : f32 to vector<128x8192xf32>
    %select_n3A_336 = arith.select %eq3A_333, %convert_element_type3A, %broadcast_in_dim3A_335 : vector<128x8192xi1>, vector<128x8192xf32>
    %reduce_min3A_337 = arith.constant dense<0x7F800000> : vector<128xf32>
    %reduce_min3A_338 = vector.multi_reduction <minimumf>, %select_n3A_336, %reduce_min3A_337 [1] : vector<128x8192xf32> to vector<128xf32>
    %broadcast_in_dim3A_339 = vector.shape_cast %reduce_min3A_338 : vector<128xf32> to vector<128x1xf32>
    %eq3A_340 = vector.broadcast %broadcast_in_dim3A_339 : vector<128x1xf32> to vector<128x8192xf32>
    %eq3A_341 = arith.cmpf oeq, %convert_element_type3A, %eq3A_340 : vector<128x8192xf32>
    %jit3A_342 = arith.constant 3.000000e+38 : f32
    %broadcast_in_dim3A_343 = vector.broadcast %jit3A_342 : f32 to vector<128x8192xf32>
    %select_n3A_344 = arith.select %eq3A_341, %broadcast_in_dim3A_343, %select_n3A_328 : vector<128x8192xi1>, vector<128x8192xf32>
    %reduce_min3A_345 = arith.constant dense<0x7F800000> : vector<128xf32>
    %reduce_min3A_346 = vector.multi_reduction <minimumf>, %select_n3A_344, %reduce_min3A_345 [1] : vector<128x8192xf32> to vector<128xf32>
    %broadcast_in_dim3A_347 = vector.shape_cast %reduce_min3A_346 : vector<128xf32> to vector<128x1xf32>
    %eq3A_348 = vector.broadcast %broadcast_in_dim3A_347 : vector<128x1xf32> to vector<128x8192xf32>
    %eq3A_349 = arith.cmpf oeq, %select_n3A_344, %eq3A_348 : vector<128x8192xf32>
    %jit3A_350 = arith.constant 8.192000e+03 : f32
    %broadcast_in_dim3A_351 = vector.broadcast %jit3A_350 : f32 to vector<128x8192xf32>
    %select_n3A_352 = arith.select %eq3A_349, %convert_element_type3A, %broadcast_in_dim3A_351 : vector<128x8192xi1>, vector<128x8192xf32>
    %reduce_min3A_353 = arith.constant dense<0x7F800000> : vector<128xf32>
    %reduce_min3A_354 = vector.multi_reduction <minimumf>, %select_n3A_352, %reduce_min3A_353 [1] : vector<128x8192xf32> to vector<128xf32>
    %broadcast_in_dim3A_355 = vector.shape_cast %reduce_min3A_354 : vector<128xf32> to vector<128x1xf32>
    %eq3A_356 = vector.broadcast %broadcast_in_dim3A_355 : vector<128x1xf32> to vector<128x8192xf32>
    %eq3A_357 = arith.cmpf oeq, %convert_element_type3A, %eq3A_356 : vector<128x8192xf32>
    %jit3A_358 = arith.constant 3.000000e+38 : f32
    %broadcast_in_dim3A_359 = vector.broadcast %jit3A_358 : f32 to vector<128x8192xf32>
    %select_n3A_360 = arith.select %eq3A_357, %broadcast_in_dim3A_359, %select_n3A_344 : vector<128x8192xi1>, vector<128x8192xf32>
    %reduce_min3A_361 = arith.constant dense<0x7F800000> : vector<128xf32>
    %reduce_min3A_362 = vector.multi_reduction <minimumf>, %select_n3A_360, %reduce_min3A_361 [1] : vector<128x8192xf32> to vector<128xf32>
    %broadcast_in_dim3A_363 = vector.shape_cast %reduce_min3A_362 : vector<128xf32> to vector<128x1xf32>
    %eq3A_364 = vector.broadcast %broadcast_in_dim3A_363 : vector<128x1xf32> to vector<128x8192xf32>
    %eq3A_365 = arith.cmpf oeq, %select_n3A_360, %eq3A_364 : vector<128x8192xf32>
    %jit3A_366 = arith.constant 8.192000e+03 : f32
    %broadcast_in_dim3A_367 = vector.broadcast %jit3A_366 : f32 to vector<128x8192xf32>
    %select_n3A_368 = arith.select %eq3A_365, %convert_element_type3A, %broadcast_in_dim3A_367 : vector<128x8192xi1>, vector<128x8192xf32>
    %reduce_min3A_369 = arith.constant dense<0x7F800000> : vector<128xf32>
    %reduce_min3A_370 = vector.multi_reduction <minimumf>, %select_n3A_368, %reduce_min3A_369 [1] : vector<128x8192xf32> to vector<128xf32>
    %broadcast_in_dim3A_371 = vector.shape_cast %reduce_min3A_370 : vector<128xf32> to vector<128x1xf32>
    %eq3A_372 = vector.broadcast %broadcast_in_dim3A_371 : vector<128x1xf32> to vector<128x8192xf32>
    %eq3A_373 = arith.cmpf oeq, %convert_element_type3A, %eq3A_372 : vector<128x8192xf32>
    %jit3A_374 = arith.constant 3.000000e+38 : f32
    %broadcast_in_dim3A_375 = vector.broadcast %jit3A_374 : f32 to vector<128x8192xf32>
    %select_n3A_376 = arith.select %eq3A_373, %broadcast_in_dim3A_375, %select_n3A_360 : vector<128x8192xi1>, vector<128x8192xf32>
    %reduce_min3A_377 = arith.constant dense<0x7F800000> : vector<128xf32>
    %reduce_min3A_378 = vector.multi_reduction <minimumf>, %select_n3A_376, %reduce_min3A_377 [1] : vector<128x8192xf32> to vector<128xf32>
    %broadcast_in_dim3A_379 = vector.shape_cast %reduce_min3A_378 : vector<128xf32> to vector<128x1xf32>
    %eq3A_380 = vector.broadcast %broadcast_in_dim3A_379 : vector<128x1xf32> to vector<128x8192xf32>
    %eq3A_381 = arith.cmpf oeq, %select_n3A_376, %eq3A_380 : vector<128x8192xf32>
    %jit3A_382 = arith.constant 8.192000e+03 : f32
    %broadcast_in_dim3A_383 = vector.broadcast %jit3A_382 : f32 to vector<128x8192xf32>
    %select_n3A_384 = arith.select %eq3A_381, %convert_element_type3A, %broadcast_in_dim3A_383 : vector<128x8192xi1>, vector<128x8192xf32>
    %reduce_min3A_385 = arith.constant dense<0x7F800000> : vector<128xf32>
    %reduce_min3A_386 = vector.multi_reduction <minimumf>, %select_n3A_384, %reduce_min3A_385 [1] : vector<128x8192xf32> to vector<128xf32>
    %broadcast_in_dim3A_387 = vector.shape_cast %reduce_min3A_386 : vector<128xf32> to vector<128x1xf32>
    %eq3A_388 = vector.broadcast %broadcast_in_dim3A_387 : vector<128x1xf32> to vector<128x8192xf32>
    %eq3A_389 = arith.cmpf oeq, %convert_element_type3A, %eq3A_388 : vector<128x8192xf32>
    %jit3A_390 = arith.constant 3.000000e+38 : f32
    %broadcast_in_dim3A_391 = vector.broadcast %jit3A_390 : f32 to vector<128x8192xf32>
    %select_n3A_392 = arith.select %eq3A_389, %broadcast_in_dim3A_391, %select_n3A_376 : vector<128x8192xi1>, vector<128x8192xf32>
    %reduce_min3A_393 = arith.constant dense<0x7F800000> : vector<128xf32>
    %reduce_min3A_394 = vector.multi_reduction <minimumf>, %select_n3A_392, %reduce_min3A_393 [1] : vector<128x8192xf32> to vector<128xf32>
    %broadcast_in_dim3A_395 = vector.shape_cast %reduce_min3A_394 : vector<128xf32> to vector<128x1xf32>
    %eq3A_396 = vector.broadcast %broadcast_in_dim3A_395 : vector<128x1xf32> to vector<128x8192xf32>
    %eq3A_397 = arith.cmpf oeq, %select_n3A_392, %eq3A_396 : vector<128x8192xf32>
    %jit3A_398 = arith.constant 8.192000e+03 : f32
    %broadcast_in_dim3A_399 = vector.broadcast %jit3A_398 : f32 to vector<128x8192xf32>
    %select_n3A_400 = arith.select %eq3A_397, %convert_element_type3A, %broadcast_in_dim3A_399 : vector<128x8192xi1>, vector<128x8192xf32>
    %reduce_min3A_401 = arith.constant dense<0x7F800000> : vector<128xf32>
    %reduce_min3A_402 = vector.multi_reduction <minimumf>, %select_n3A_400, %reduce_min3A_401 [1] : vector<128x8192xf32> to vector<128xf32>
    %broadcast_in_dim3A_403 = vector.shape_cast %reduce_min3A_402 : vector<128xf32> to vector<128x1xf32>
    %eq3A_404 = vector.broadcast %broadcast_in_dim3A_403 : vector<128x1xf32> to vector<128x8192xf32>
    %eq3A_405 = arith.cmpf oeq, %convert_element_type3A, %eq3A_404 : vector<128x8192xf32>
    %jit3A_406 = arith.constant 3.000000e+38 : f32
    %broadcast_in_dim3A_407 = vector.broadcast %jit3A_406 : f32 to vector<128x8192xf32>
    %select_n3A_408 = arith.select %eq3A_405, %broadcast_in_dim3A_407, %select_n3A_392 : vector<128x8192xi1>, vector<128x8192xf32>
    %reduce_min3A_409 = arith.constant dense<0x7F800000> : vector<128xf32>
    %reduce_min3A_410 = vector.multi_reduction <minimumf>, %select_n3A_408, %reduce_min3A_409 [1] : vector<128x8192xf32> to vector<128xf32>
    %broadcast_in_dim3A_411 = vector.shape_cast %reduce_min3A_410 : vector<128xf32> to vector<128x1xf32>
    %eq3A_412 = vector.broadcast %broadcast_in_dim3A_411 : vector<128x1xf32> to vector<128x8192xf32>
    %eq3A_413 = arith.cmpf oeq, %select_n3A_408, %eq3A_412 : vector<128x8192xf32>
    %jit3A_414 = arith.constant 8.192000e+03 : f32
    %broadcast_in_dim3A_415 = vector.broadcast %jit3A_414 : f32 to vector<128x8192xf32>
    %select_n3A_416 = arith.select %eq3A_413, %convert_element_type3A, %broadcast_in_dim3A_415 : vector<128x8192xi1>, vector<128x8192xf32>
    %reduce_min3A_417 = arith.constant dense<0x7F800000> : vector<128xf32>
    %reduce_min3A_418 = vector.multi_reduction <minimumf>, %select_n3A_416, %reduce_min3A_417 [1] : vector<128x8192xf32> to vector<128xf32>
    %broadcast_in_dim3A_419 = vector.shape_cast %reduce_min3A_418 : vector<128xf32> to vector<128x1xf32>
    %eq3A_420 = vector.broadcast %broadcast_in_dim3A_419 : vector<128x1xf32> to vector<128x8192xf32>
    %eq3A_421 = arith.cmpf oeq, %convert_element_type3A, %eq3A_420 : vector<128x8192xf32>
    %jit3A_422 = arith.constant 3.000000e+38 : f32
    %broadcast_in_dim3A_423 = vector.broadcast %jit3A_422 : f32 to vector<128x8192xf32>
    %select_n3A_424 = arith.select %eq3A_421, %broadcast_in_dim3A_423, %select_n3A_408 : vector<128x8192xi1>, vector<128x8192xf32>
    %reduce_min3A_425 = arith.constant dense<0x7F800000> : vector<128xf32>
    %reduce_min3A_426 = vector.multi_reduction <minimumf>, %select_n3A_424, %reduce_min3A_425 [1] : vector<128x8192xf32> to vector<128xf32>
    %broadcast_in_dim3A_427 = vector.shape_cast %reduce_min3A_426 : vector<128xf32> to vector<128x1xf32>
    %eq3A_428 = vector.broadcast %broadcast_in_dim3A_427 : vector<128x1xf32> to vector<128x8192xf32>
    %eq3A_429 = arith.cmpf oeq, %select_n3A_424, %eq3A_428 : vector<128x8192xf32>
    %jit3A_430 = arith.constant 8.192000e+03 : f32
    %broadcast_in_dim3A_431 = vector.broadcast %jit3A_430 : f32 to vector<128x8192xf32>
    %select_n3A_432 = arith.select %eq3A_429, %convert_element_type3A, %broadcast_in_dim3A_431 : vector<128x8192xi1>, vector<128x8192xf32>
    %reduce_min3A_433 = arith.constant dense<0x7F800000> : vector<128xf32>
    %reduce_min3A_434 = vector.multi_reduction <minimumf>, %select_n3A_432, %reduce_min3A_433 [1] : vector<128x8192xf32> to vector<128xf32>
    %broadcast_in_dim3A_435 = vector.shape_cast %reduce_min3A_434 : vector<128xf32> to vector<128x1xf32>
    %eq3A_436 = vector.broadcast %broadcast_in_dim3A_435 : vector<128x1xf32> to vector<128x8192xf32>
    %eq3A_437 = arith.cmpf oeq, %convert_element_type3A, %eq3A_436 : vector<128x8192xf32>
    %jit3A_438 = arith.constant 3.000000e+38 : f32
    %broadcast_in_dim3A_439 = vector.broadcast %jit3A_438 : f32 to vector<128x8192xf32>
    %select_n3A_440 = arith.select %eq3A_437, %broadcast_in_dim3A_439, %select_n3A_424 : vector<128x8192xi1>, vector<128x8192xf32>
    %reduce_min3A_441 = arith.constant dense<0x7F800000> : vector<128xf32>
    %reduce_min3A_442 = vector.multi_reduction <minimumf>, %select_n3A_440, %reduce_min3A_441 [1] : vector<128x8192xf32> to vector<128xf32>
    %broadcast_in_dim3A_443 = vector.shape_cast %reduce_min3A_442 : vector<128xf32> to vector<128x1xf32>
    %eq3A_444 = vector.broadcast %broadcast_in_dim3A_443 : vector<128x1xf32> to vector<128x8192xf32>
    %eq3A_445 = arith.cmpf oeq, %select_n3A_440, %eq3A_444 : vector<128x8192xf32>
    %jit3A_446 = arith.constant 8.192000e+03 : f32
    %broadcast_in_dim3A_447 = vector.broadcast %jit3A_446 : f32 to vector<128x8192xf32>
    %select_n3A_448 = arith.select %eq3A_445, %convert_element_type3A, %broadcast_in_dim3A_447 : vector<128x8192xi1>, vector<128x8192xf32>
    %reduce_min3A_449 = arith.constant dense<0x7F800000> : vector<128xf32>
    %reduce_min3A_450 = vector.multi_reduction <minimumf>, %select_n3A_448, %reduce_min3A_449 [1] : vector<128x8192xf32> to vector<128xf32>
    %broadcast_in_dim3A_451 = vector.shape_cast %reduce_min3A_450 : vector<128xf32> to vector<128x1xf32>
    %eq3A_452 = vector.broadcast %broadcast_in_dim3A_451 : vector<128x1xf32> to vector<128x8192xf32>
    %eq3A_453 = arith.cmpf oeq, %convert_element_type3A, %eq3A_452 : vector<128x8192xf32>
    %jit3A_454 = arith.constant 3.000000e+38 : f32
    %broadcast_in_dim3A_455 = vector.broadcast %jit3A_454 : f32 to vector<128x8192xf32>
    %select_n3A_456 = arith.select %eq3A_453, %broadcast_in_dim3A_455, %select_n3A_440 : vector<128x8192xi1>, vector<128x8192xf32>
    %reduce_min3A_457 = arith.constant dense<0x7F800000> : vector<128xf32>
    %reduce_min3A_458 = vector.multi_reduction <minimumf>, %select_n3A_456, %reduce_min3A_457 [1] : vector<128x8192xf32> to vector<128xf32>
    %broadcast_in_dim3A_459 = vector.shape_cast %reduce_min3A_458 : vector<128xf32> to vector<128x1xf32>
    %eq3A_460 = vector.broadcast %broadcast_in_dim3A_459 : vector<128x1xf32> to vector<128x8192xf32>
    %eq3A_461 = arith.cmpf oeq, %select_n3A_456, %eq3A_460 : vector<128x8192xf32>
    %jit3A_462 = arith.constant 8.192000e+03 : f32
    %broadcast_in_dim3A_463 = vector.broadcast %jit3A_462 : f32 to vector<128x8192xf32>
    %select_n3A_464 = arith.select %eq3A_461, %convert_element_type3A, %broadcast_in_dim3A_463 : vector<128x8192xi1>, vector<128x8192xf32>
    %reduce_min3A_465 = arith.constant dense<0x7F800000> : vector<128xf32>
    %reduce_min3A_466 = vector.multi_reduction <minimumf>, %select_n3A_464, %reduce_min3A_465 [1] : vector<128x8192xf32> to vector<128xf32>
    %broadcast_in_dim3A_467 = vector.shape_cast %reduce_min3A_466 : vector<128xf32> to vector<128x1xf32>
    %eq3A_468 = vector.broadcast %broadcast_in_dim3A_467 : vector<128x1xf32> to vector<128x8192xf32>
    %eq3A_469 = arith.cmpf oeq, %convert_element_type3A, %eq3A_468 : vector<128x8192xf32>
    %jit3A_470 = arith.constant 3.000000e+38 : f32
    %broadcast_in_dim3A_471 = vector.broadcast %jit3A_470 : f32 to vector<128x8192xf32>
    %select_n3A_472 = arith.select %eq3A_469, %broadcast_in_dim3A_471, %select_n3A_456 : vector<128x8192xi1>, vector<128x8192xf32>
    %reduce_min3A_473 = arith.constant dense<0x7F800000> : vector<128xf32>
    %reduce_min3A_474 = vector.multi_reduction <minimumf>, %select_n3A_472, %reduce_min3A_473 [1] : vector<128x8192xf32> to vector<128xf32>
    %broadcast_in_dim3A_475 = vector.shape_cast %reduce_min3A_474 : vector<128xf32> to vector<128x1xf32>
    %eq3A_476 = vector.broadcast %broadcast_in_dim3A_475 : vector<128x1xf32> to vector<128x8192xf32>
    %eq3A_477 = arith.cmpf oeq, %select_n3A_472, %eq3A_476 : vector<128x8192xf32>
    %jit3A_478 = arith.constant 8.192000e+03 : f32
    %broadcast_in_dim3A_479 = vector.broadcast %jit3A_478 : f32 to vector<128x8192xf32>
    %select_n3A_480 = arith.select %eq3A_477, %convert_element_type3A, %broadcast_in_dim3A_479 : vector<128x8192xi1>, vector<128x8192xf32>
    %reduce_min3A_481 = arith.constant dense<0x7F800000> : vector<128xf32>
    %reduce_min3A_482 = vector.multi_reduction <minimumf>, %select_n3A_480, %reduce_min3A_481 [1] : vector<128x8192xf32> to vector<128xf32>
    %broadcast_in_dim3A_483 = vector.shape_cast %reduce_min3A_482 : vector<128xf32> to vector<128x1xf32>
    %eq3A_484 = vector.broadcast %broadcast_in_dim3A_483 : vector<128x1xf32> to vector<128x8192xf32>
    %eq3A_485 = arith.cmpf oeq, %convert_element_type3A, %eq3A_484 : vector<128x8192xf32>
    %jit3A_486 = arith.constant 3.000000e+38 : f32
    %broadcast_in_dim3A_487 = vector.broadcast %jit3A_486 : f32 to vector<128x8192xf32>
    %select_n3A_488 = arith.select %eq3A_485, %broadcast_in_dim3A_487, %select_n3A_472 : vector<128x8192xi1>, vector<128x8192xf32>
    %reduce_min3A_489 = arith.constant dense<0x7F800000> : vector<128xf32>
    %reduce_min3A_490 = vector.multi_reduction <minimumf>, %select_n3A_488, %reduce_min3A_489 [1] : vector<128x8192xf32> to vector<128xf32>
    %broadcast_in_dim3A_491 = vector.shape_cast %reduce_min3A_490 : vector<128xf32> to vector<128x1xf32>
    %eq3A_492 = vector.broadcast %broadcast_in_dim3A_491 : vector<128x1xf32> to vector<128x8192xf32>
    %eq3A_493 = arith.cmpf oeq, %select_n3A_488, %eq3A_492 : vector<128x8192xf32>
    %jit3A_494 = arith.constant 8.192000e+03 : f32
    %broadcast_in_dim3A_495 = vector.broadcast %jit3A_494 : f32 to vector<128x8192xf32>
    %select_n3A_496 = arith.select %eq3A_493, %convert_element_type3A, %broadcast_in_dim3A_495 : vector<128x8192xi1>, vector<128x8192xf32>
    %reduce_min3A_497 = arith.constant dense<0x7F800000> : vector<128xf32>
    %reduce_min3A_498 = vector.multi_reduction <minimumf>, %select_n3A_496, %reduce_min3A_497 [1] : vector<128x8192xf32> to vector<128xf32>
    %broadcast_in_dim3A_499 = vector.shape_cast %reduce_min3A_498 : vector<128xf32> to vector<128x1xf32>
    %eq3A_500 = vector.broadcast %broadcast_in_dim3A_499 : vector<128x1xf32> to vector<128x8192xf32>
    %eq3A_501 = arith.cmpf oeq, %convert_element_type3A, %eq3A_500 : vector<128x8192xf32>
    %jit3A_502 = arith.constant 3.000000e+38 : f32
    %broadcast_in_dim3A_503 = vector.broadcast %jit3A_502 : f32 to vector<128x8192xf32>
    %select_n3A_504 = arith.select %eq3A_501, %broadcast_in_dim3A_503, %select_n3A_488 : vector<128x8192xi1>, vector<128x8192xf32>
    %reduce_min3A_505 = arith.constant dense<0x7F800000> : vector<128xf32>
    %reduce_min3A_506 = vector.multi_reduction <minimumf>, %select_n3A_504, %reduce_min3A_505 [1] : vector<128x8192xf32> to vector<128xf32>
    %broadcast_in_dim3A_507 = vector.shape_cast %reduce_min3A_506 : vector<128xf32> to vector<128x1xf32>
    %eq3A_508 = vector.broadcast %broadcast_in_dim3A_507 : vector<128x1xf32> to vector<128x8192xf32>
    %eq3A_509 = arith.cmpf oeq, %select_n3A_504, %eq3A_508 : vector<128x8192xf32>
    %jit3A_510 = arith.constant 8.192000e+03 : f32
    %broadcast_in_dim3A_511 = vector.broadcast %jit3A_510 : f32 to vector<128x8192xf32>
    %select_n3A_512 = arith.select %eq3A_509, %convert_element_type3A, %broadcast_in_dim3A_511 : vector<128x8192xi1>, vector<128x8192xf32>
    %reduce_min3A_513 = arith.constant dense<0x7F800000> : vector<128xf32>
    %reduce_min3A_514 = vector.multi_reduction <minimumf>, %select_n3A_512, %reduce_min3A_513 [1] : vector<128x8192xf32> to vector<128xf32>
    %broadcast_in_dim3A_515 = vector.shape_cast %reduce_min3A_514 : vector<128xf32> to vector<128x1xf32>
    %eq3A_516 = vector.broadcast %broadcast_in_dim3A_515 : vector<128x1xf32> to vector<128x8192xf32>
    %eq3A_517 = arith.cmpf oeq, %convert_element_type3A, %eq3A_516 : vector<128x8192xf32>
    %jit3A_518 = arith.constant 3.000000e+38 : f32
    %broadcast_in_dim3A_519 = vector.broadcast %jit3A_518 : f32 to vector<128x8192xf32>
    %select_n3A_520 = arith.select %eq3A_517, %broadcast_in_dim3A_519, %select_n3A_504 : vector<128x8192xi1>, vector<128x8192xf32>
    %reduce_min3A_521 = arith.constant dense<0x7F800000> : vector<128xf32>
    %reduce_min3A_522 = vector.multi_reduction <minimumf>, %select_n3A_520, %reduce_min3A_521 [1] : vector<128x8192xf32> to vector<128xf32>
    %broadcast_in_dim3A_523 = vector.shape_cast %reduce_min3A_522 : vector<128xf32> to vector<128x1xf32>
    %eq3A_524 = vector.broadcast %broadcast_in_dim3A_523 : vector<128x1xf32> to vector<128x8192xf32>
    %eq3A_525 = arith.cmpf oeq, %select_n3A_520, %eq3A_524 : vector<128x8192xf32>
    %jit3A_526 = arith.constant 8.192000e+03 : f32
    %broadcast_in_dim3A_527 = vector.broadcast %jit3A_526 : f32 to vector<128x8192xf32>
    %select_n3A_528 = arith.select %eq3A_525, %convert_element_type3A, %broadcast_in_dim3A_527 : vector<128x8192xi1>, vector<128x8192xf32>
    %reduce_min3A_529 = arith.constant dense<0x7F800000> : vector<128xf32>
    %reduce_min3A_530 = vector.multi_reduction <minimumf>, %select_n3A_528, %reduce_min3A_529 [1] : vector<128x8192xf32> to vector<128xf32>
    %broadcast_in_dim3A_531 = vector.shape_cast %reduce_min3A_530 : vector<128xf32> to vector<128x1xf32>
    %eq3A_532 = vector.broadcast %broadcast_in_dim3A_531 : vector<128x1xf32> to vector<128x8192xf32>
    %eq3A_533 = arith.cmpf oeq, %convert_element_type3A, %eq3A_532 : vector<128x8192xf32>
    %jit3A_534 = arith.constant 3.000000e+38 : f32
    %broadcast_in_dim3A_535 = vector.broadcast %jit3A_534 : f32 to vector<128x8192xf32>
    %select_n3A_536 = arith.select %eq3A_533, %broadcast_in_dim3A_535, %select_n3A_520 : vector<128x8192xi1>, vector<128x8192xf32>
    %reduce_min3A_537 = arith.constant dense<0x7F800000> : vector<128xf32>
    %reduce_min3A_538 = vector.multi_reduction <minimumf>, %select_n3A_536, %reduce_min3A_537 [1] : vector<128x8192xf32> to vector<128xf32>
    %broadcast_in_dim3A_539 = vector.shape_cast %reduce_min3A_538 : vector<128xf32> to vector<128x1xf32>
    %eq3A_540 = vector.broadcast %broadcast_in_dim3A_539 : vector<128x1xf32> to vector<128x8192xf32>
    %eq3A_541 = arith.cmpf oeq, %select_n3A_536, %eq3A_540 : vector<128x8192xf32>
    %jit3A_542 = arith.constant 8.192000e+03 : f32
    %broadcast_in_dim3A_543 = vector.broadcast %jit3A_542 : f32 to vector<128x8192xf32>
    %select_n3A_544 = arith.select %eq3A_541, %convert_element_type3A, %broadcast_in_dim3A_543 : vector<128x8192xi1>, vector<128x8192xf32>
    %reduce_min3A_545 = arith.constant dense<0x7F800000> : vector<128xf32>
    %reduce_min3A_546 = vector.multi_reduction <minimumf>, %select_n3A_544, %reduce_min3A_545 [1] : vector<128x8192xf32> to vector<128xf32>
    %broadcast_in_dim3A_547 = vector.shape_cast %reduce_min3A_546 : vector<128xf32> to vector<128x1xf32>
    %eq3A_548 = vector.broadcast %broadcast_in_dim3A_547 : vector<128x1xf32> to vector<128x8192xf32>
    %eq3A_549 = arith.cmpf oeq, %convert_element_type3A, %eq3A_548 : vector<128x8192xf32>
    %jit3A_550 = arith.constant 3.000000e+38 : f32
    %broadcast_in_dim3A_551 = vector.broadcast %jit3A_550 : f32 to vector<128x8192xf32>
    %select_n3A_552 = arith.select %eq3A_549, %broadcast_in_dim3A_551, %select_n3A_536 : vector<128x8192xi1>, vector<128x8192xf32>
    %reduce_min3A_553 = arith.constant dense<0x7F800000> : vector<128xf32>
    %reduce_min3A_554 = vector.multi_reduction <minimumf>, %select_n3A_552, %reduce_min3A_553 [1] : vector<128x8192xf32> to vector<128xf32>
    %broadcast_in_dim3A_555 = vector.shape_cast %reduce_min3A_554 : vector<128xf32> to vector<128x1xf32>
    %eq3A_556 = vector.broadcast %broadcast_in_dim3A_555 : vector<128x1xf32> to vector<128x8192xf32>
    %eq3A_557 = arith.cmpf oeq, %select_n3A_552, %eq3A_556 : vector<128x8192xf32>
    %jit3A_558 = arith.constant 8.192000e+03 : f32
    %broadcast_in_dim3A_559 = vector.broadcast %jit3A_558 : f32 to vector<128x8192xf32>
    %select_n3A_560 = arith.select %eq3A_557, %convert_element_type3A, %broadcast_in_dim3A_559 : vector<128x8192xi1>, vector<128x8192xf32>
    %reduce_min3A_561 = arith.constant dense<0x7F800000> : vector<128xf32>
    %reduce_min3A_562 = vector.multi_reduction <minimumf>, %select_n3A_560, %reduce_min3A_561 [1] : vector<128x8192xf32> to vector<128xf32>
    %broadcast_in_dim3A_563 = vector.shape_cast %reduce_min3A_562 : vector<128xf32> to vector<128x1xf32>
    %eq3A_564 = vector.broadcast %broadcast_in_dim3A_563 : vector<128x1xf32> to vector<128x8192xf32>
    %eq3A_565 = arith.cmpf oeq, %convert_element_type3A, %eq3A_564 : vector<128x8192xf32>
    %jit3A_566 = arith.constant 3.000000e+38 : f32
    %broadcast_in_dim3A_567 = vector.broadcast %jit3A_566 : f32 to vector<128x8192xf32>
    %select_n3A_568 = arith.select %eq3A_565, %broadcast_in_dim3A_567, %select_n3A_552 : vector<128x8192xi1>, vector<128x8192xf32>
    %reduce_min3A_569 = arith.constant dense<0x7F800000> : vector<128xf32>
    %reduce_min3A_570 = vector.multi_reduction <minimumf>, %select_n3A_568, %reduce_min3A_569 [1] : vector<128x8192xf32> to vector<128xf32>
    %broadcast_in_dim3A_571 = vector.shape_cast %reduce_min3A_570 : vector<128xf32> to vector<128x1xf32>
    %eq3A_572 = vector.broadcast %broadcast_in_dim3A_571 : vector<128x1xf32> to vector<128x8192xf32>
    %eq3A_573 = arith.cmpf oeq, %select_n3A_568, %eq3A_572 : vector<128x8192xf32>
    %jit3A_574 = arith.constant 8.192000e+03 : f32
    %broadcast_in_dim3A_575 = vector.broadcast %jit3A_574 : f32 to vector<128x8192xf32>
    %select_n3A_576 = arith.select %eq3A_573, %convert_element_type3A, %broadcast_in_dim3A_575 : vector<128x8192xi1>, vector<128x8192xf32>
    %reduce_min3A_577 = arith.constant dense<0x7F800000> : vector<128xf32>
    %reduce_min3A_578 = vector.multi_reduction <minimumf>, %select_n3A_576, %reduce_min3A_577 [1] : vector<128x8192xf32> to vector<128xf32>
    %broadcast_in_dim3A_579 = vector.shape_cast %reduce_min3A_578 : vector<128xf32> to vector<128x1xf32>
    %eq3A_580 = vector.broadcast %broadcast_in_dim3A_579 : vector<128x1xf32> to vector<128x8192xf32>
    %eq3A_581 = arith.cmpf oeq, %convert_element_type3A, %eq3A_580 : vector<128x8192xf32>
    %jit3A_582 = arith.constant 3.000000e+38 : f32
    %broadcast_in_dim3A_583 = vector.broadcast %jit3A_582 : f32 to vector<128x8192xf32>
    %select_n3A_584 = arith.select %eq3A_581, %broadcast_in_dim3A_583, %select_n3A_568 : vector<128x8192xi1>, vector<128x8192xf32>
    %reduce_min3A_585 = arith.constant dense<0x7F800000> : vector<128xf32>
    %reduce_min3A_586 = vector.multi_reduction <minimumf>, %select_n3A_584, %reduce_min3A_585 [1] : vector<128x8192xf32> to vector<128xf32>
    %broadcast_in_dim3A_587 = vector.shape_cast %reduce_min3A_586 : vector<128xf32> to vector<128x1xf32>
    %eq3A_588 = vector.broadcast %broadcast_in_dim3A_587 : vector<128x1xf32> to vector<128x8192xf32>
    %eq3A_589 = arith.cmpf oeq, %select_n3A_584, %eq3A_588 : vector<128x8192xf32>
    %jit3A_590 = arith.constant 8.192000e+03 : f32
    %broadcast_in_dim3A_591 = vector.broadcast %jit3A_590 : f32 to vector<128x8192xf32>
    %select_n3A_592 = arith.select %eq3A_589, %convert_element_type3A, %broadcast_in_dim3A_591 : vector<128x8192xi1>, vector<128x8192xf32>
    %reduce_min3A_593 = arith.constant dense<0x7F800000> : vector<128xf32>
    %reduce_min3A_594 = vector.multi_reduction <minimumf>, %select_n3A_592, %reduce_min3A_593 [1] : vector<128x8192xf32> to vector<128xf32>
    %broadcast_in_dim3A_595 = vector.shape_cast %reduce_min3A_594 : vector<128xf32> to vector<128x1xf32>
    %eq3A_596 = vector.broadcast %broadcast_in_dim3A_595 : vector<128x1xf32> to vector<128x8192xf32>
    %eq3A_597 = arith.cmpf oeq, %convert_element_type3A, %eq3A_596 : vector<128x8192xf32>
    %jit3A_598 = arith.constant 3.000000e+38 : f32
    %broadcast_in_dim3A_599 = vector.broadcast %jit3A_598 : f32 to vector<128x8192xf32>
    %select_n3A_600 = arith.select %eq3A_597, %broadcast_in_dim3A_599, %select_n3A_584 : vector<128x8192xi1>, vector<128x8192xf32>
    %reduce_min3A_601 = arith.constant dense<0x7F800000> : vector<128xf32>
    %reduce_min3A_602 = vector.multi_reduction <minimumf>, %select_n3A_600, %reduce_min3A_601 [1] : vector<128x8192xf32> to vector<128xf32>
    %broadcast_in_dim3A_603 = vector.shape_cast %reduce_min3A_602 : vector<128xf32> to vector<128x1xf32>
    %eq3A_604 = vector.broadcast %broadcast_in_dim3A_603 : vector<128x1xf32> to vector<128x8192xf32>
    %eq3A_605 = arith.cmpf oeq, %select_n3A_600, %eq3A_604 : vector<128x8192xf32>
    %jit3A_606 = arith.constant 8.192000e+03 : f32
    %broadcast_in_dim3A_607 = vector.broadcast %jit3A_606 : f32 to vector<128x8192xf32>
    %select_n3A_608 = arith.select %eq3A_605, %convert_element_type3A, %broadcast_in_dim3A_607 : vector<128x8192xi1>, vector<128x8192xf32>
    %reduce_min3A_609 = arith.constant dense<0x7F800000> : vector<128xf32>
    %reduce_min3A_610 = vector.multi_reduction <minimumf>, %select_n3A_608, %reduce_min3A_609 [1] : vector<128x8192xf32> to vector<128xf32>
    %broadcast_in_dim3A_611 = vector.shape_cast %reduce_min3A_610 : vector<128xf32> to vector<128x1xf32>
    %eq3A_612 = vector.broadcast %broadcast_in_dim3A_611 : vector<128x1xf32> to vector<128x8192xf32>
    %eq3A_613 = arith.cmpf oeq, %convert_element_type3A, %eq3A_612 : vector<128x8192xf32>
    %jit3A_614 = arith.constant 3.000000e+38 : f32
    %broadcast_in_dim3A_615 = vector.broadcast %jit3A_614 : f32 to vector<128x8192xf32>
    %select_n3A_616 = arith.select %eq3A_613, %broadcast_in_dim3A_615, %select_n3A_600 : vector<128x8192xi1>, vector<128x8192xf32>
    %reduce_min3A_617 = arith.constant dense<0x7F800000> : vector<128xf32>
    %reduce_min3A_618 = vector.multi_reduction <minimumf>, %select_n3A_616, %reduce_min3A_617 [1] : vector<128x8192xf32> to vector<128xf32>
    %broadcast_in_dim3A_619 = vector.shape_cast %reduce_min3A_618 : vector<128xf32> to vector<128x1xf32>
    %eq3A_620 = vector.broadcast %broadcast_in_dim3A_619 : vector<128x1xf32> to vector<128x8192xf32>
    %eq3A_621 = arith.cmpf oeq, %select_n3A_616, %eq3A_620 : vector<128x8192xf32>
    %jit3A_622 = arith.constant 8.192000e+03 : f32
    %broadcast_in_dim3A_623 = vector.broadcast %jit3A_622 : f32 to vector<128x8192xf32>
    %select_n3A_624 = arith.select %eq3A_621, %convert_element_type3A, %broadcast_in_dim3A_623 : vector<128x8192xi1>, vector<128x8192xf32>
    %reduce_min3A_625 = arith.constant dense<0x7F800000> : vector<128xf32>
    %reduce_min3A_626 = vector.multi_reduction <minimumf>, %select_n3A_624, %reduce_min3A_625 [1] : vector<128x8192xf32> to vector<128xf32>
    %broadcast_in_dim3A_627 = vector.shape_cast %reduce_min3A_626 : vector<128xf32> to vector<128x1xf32>
    %eq3A_628 = vector.broadcast %broadcast_in_dim3A_627 : vector<128x1xf32> to vector<128x8192xf32>
    %eq3A_629 = arith.cmpf oeq, %convert_element_type3A, %eq3A_628 : vector<128x8192xf32>
    %jit3A_630 = arith.constant 3.000000e+38 : f32
    %broadcast_in_dim3A_631 = vector.broadcast %jit3A_630 : f32 to vector<128x8192xf32>
    %select_n3A_632 = arith.select %eq3A_629, %broadcast_in_dim3A_631, %select_n3A_616 : vector<128x8192xi1>, vector<128x8192xf32>
    %reduce_min3A_633 = arith.constant dense<0x7F800000> : vector<128xf32>
    %reduce_min3A_634 = vector.multi_reduction <minimumf>, %select_n3A_632, %reduce_min3A_633 [1] : vector<128x8192xf32> to vector<128xf32>
    %broadcast_in_dim3A_635 = vector.shape_cast %reduce_min3A_634 : vector<128xf32> to vector<128x1xf32>
    %eq3A_636 = vector.broadcast %broadcast_in_dim3A_635 : vector<128x1xf32> to vector<128x8192xf32>
    %eq3A_637 = arith.cmpf oeq, %select_n3A_632, %eq3A_636 : vector<128x8192xf32>
    %jit3A_638 = arith.constant 8.192000e+03 : f32
    %broadcast_in_dim3A_639 = vector.broadcast %jit3A_638 : f32 to vector<128x8192xf32>
    %select_n3A_640 = arith.select %eq3A_637, %convert_element_type3A, %broadcast_in_dim3A_639 : vector<128x8192xi1>, vector<128x8192xf32>
    %reduce_min3A_641 = arith.constant dense<0x7F800000> : vector<128xf32>
    %reduce_min3A_642 = vector.multi_reduction <minimumf>, %select_n3A_640, %reduce_min3A_641 [1] : vector<128x8192xf32> to vector<128xf32>
    %broadcast_in_dim3A_643 = vector.shape_cast %reduce_min3A_642 : vector<128xf32> to vector<128x1xf32>
    %concatenate3A = tpu.concatenate %broadcast_in_dim3A_147, %broadcast_in_dim3A_163, %broadcast_in_dim3A_179, %broadcast_in_dim3A_195, %broadcast_in_dim3A_211, %broadcast_in_dim3A_227, %broadcast_in_dim3A_243, %broadcast_in_dim3A_259, %broadcast_in_dim3A_275, %broadcast_in_dim3A_291, %broadcast_in_dim3A_307, %broadcast_in_dim3A_323, %broadcast_in_dim3A_339, %broadcast_in_dim3A_355, %broadcast_in_dim3A_371, %broadcast_in_dim3A_387, %broadcast_in_dim3A_403, %broadcast_in_dim3A_419, %broadcast_in_dim3A_435, %broadcast_in_dim3A_451, %broadcast_in_dim3A_467, %broadcast_in_dim3A_483, %broadcast_in_dim3A_499, %broadcast_in_dim3A_515, %broadcast_in_dim3A_531, %broadcast_in_dim3A_547, %broadcast_in_dim3A_563, %broadcast_in_dim3A_579, %broadcast_in_dim3A_595, %broadcast_in_dim3A_611, %broadcast_in_dim3A_627, %broadcast_in_dim3A_643 in 1 : vector<128x1xf32>, vector<128x1xf32>, vector<128x1xf32>, vector<128x1xf32>, vector<128x1xf32>, vector<128x1xf32>, vector<128x1xf32>, vector<128x1xf32>, vector<128x1xf32>, vector<128x1xf32>, vector<128x1xf32>, vector<128x1xf32>, vector<128x1xf32>, vector<128x1xf32>, vector<128x1xf32>, vector<128x1xf32>, vector<128x1xf32>, vector<128x1xf32>, vector<128x1xf32>, vector<128x1xf32>, vector<128x1xf32>, vector<128x1xf32>, vector<128x1xf32>, vector<128x1xf32>, vector<128x1xf32>, vector<128x1xf32>, vector<128x1xf32>, vector<128x1xf32>, vector<128x1xf32>, vector<128x1xf32>, vector<128x1xf32>, vector<128x1xf32> -> vector<128x32xf32>
    %convert_element_type3A_644 = arith.fptosi %concatenate3A : vector<128x32xf32> to vector<128x32xi32>
    %swap3A = arith.constant 0 : index
    %swap3A_645 = arith.constant 0 : index
    %swap3A_646 = arith.constant 0 : index
    %swap3A_647 = vector.load %arg6[%swap3A, %swap3A_645, %swap3A_646] : memref<1x128x32xi32, #tpu.memory_space<vmem>>, vector<1x128x32xi32>
    %swap3A_648 = vector.shape_cast %swap3A_647 : vector<1x128x32xi32> to vector<128x32xi32>
    %swap3A_649 = vector.shape_cast %convert_element_type3A_644 : vector<128x32xi32> to vector<1x128x32xi32>
    tpu.vector_store %arg6[%swap3A, %swap3A_645, %swap3A_646], %swap3A_649 {strides = array<i32>} : memref<1x128x32xi32, #tpu.memory_space<vmem>>, vector<1x128x32xi32>,
    return
  }
  func.func @transform_0(%arg0: i32, %arg1: i32) -> (i32, i32, i32) {
    %c0_i32 = arith.constant 0 : i32
    %c0_i32_0 = arith.constant 0 : i32
    return %arg0, %arg1, %c0_i32 : i32, i32, i32
  }
  func.func @transform_1(%arg0: i32, %arg1: i32) -> (i32, i32, i32) {
    %c0_i32 = arith.constant 0 : i32
    %c0_i32_0 = arith.constant 0 : i32
    %c0_i32_1 = arith.constant 0 : i32
    return %arg0, %c0_i32, %c0_i32_0 : i32, i32, i32
  }
  func.func @transform_2(%arg0: i32, %arg1: i32) -> (i32, i32, i32) {
    %c0_i32 = arith.constant 0 : i32
    %c0_i32_0 = arith.constant 0 : i32
    %c0_i32_1 = arith.constant 0 : i32
    return %arg0, %c0_i32, %c0_i32_0 : i32, i32, i32
  }
  func.func @transform_3(%arg0: i32, %arg1: i32) -> (i32, i32, i32) {
    %c0_i32 = arith.constant 0 : i32
    %c0_i32_0 = arith.constant 0 : i32
    %c0_i32_1 = arith.constant 0 : i32
    return %arg0, %c0_i32, %c0_i32_0 : i32, i32, i32
  }
  func.func @transform_4(%arg0: i32, %arg1: i32) -> (i32, i32, i32) {
    %c0_i32 = arith.constant 0 : i32
    %c0_i32_0 = arith.constant 0 : i32
    return %arg0, %arg1, %c0_i32 : i32, i32, i32
  }
}

module attributes {stable_mosaic.version = 14 : i64} {
  func.func @_fps_kernel(%arg0: memref<48x2048xf32, #tpu.memory_space<vmem>>, %arg1: memref<4x1xi32, #tpu.memory_space<vmem>>, %arg2: memref<4x1024xi32, #tpu.memory_space<vmem>>, %arg3: memref<4x1024x3xf32, #tpu.memory_space<vmem>>) attributes {dimension_semantics = [], scalar_prefetch = 0 : i64, scratch_operands = 0 : i64, tpu.core_type = #tpu.core_type<tc>} {
    %iota3A = tpu.iota {dimensions = array<i32: 1>} : vector<16x2048xi32>
    %iota3A_0 = tpu.iota {dimensions = array<i32: 0>} : vector<16x2048xi32>
    %jit3A = arith.constant 4 : i32
    %div3A = vector.broadcast %jit3A : i32 to vector<16x2048xi32>
    %div3A_1 = arith.divsi %iota3A_0, %div3A : vector<16x2048xi32>
    %sign3A = arith.constant 0 : i32
    %sign3A_2 = vector.broadcast %sign3A : i32 to vector<16x2048xi32>
    %sign3A_3 = arith.cmpi sgt, %iota3A_0, %sign3A_2 : vector<16x2048xi32>
    %sign3A_4 = arith.extui %sign3A_3 : vector<16x2048xi1> to vector<16x2048xi32>
    %sign3A_5 = arith.constant 0 : i32
    %sign3A_6 = vector.broadcast %sign3A_5 : i32 to vector<16x2048xi32>
    %sign3A_7 = arith.cmpi slt, %iota3A_0, %sign3A_6 : vector<16x2048xi32>
    %sign3A_8 = arith.extui %sign3A_7 : vector<16x2048xi1> to vector<16x2048xi32>
    %sign3A_9 = arith.subi %sign3A_4, %sign3A_8 : vector<16x2048xi32>
    %sign3A_10 = arith.constant 0 : i32
    %sign3A_11 = arith.cmpi sgt, %jit3A, %sign3A_10 : i32
    %sign3A_12 = arith.extui %sign3A_11 : i1 to i32
    %sign3A_13 = arith.constant 0 : i32
    %sign3A_14 = arith.cmpi slt, %jit3A, %sign3A_13 : i32
    %sign3A_15 = arith.extui %sign3A_14 : i1 to i32
    %sign3A_16 = arith.subi %sign3A_12, %sign3A_15 : i32
    %ne3A = vector.broadcast %sign3A_16 : i32 to vector<16x2048xi32>
    %ne3A_17 = arith.cmpi ne, %sign3A_9, %ne3A : vector<16x2048xi32>
    %rem3A = vector.broadcast %jit3A : i32 to vector<16x2048xi32>
    %rem3A_18 = arith.remsi %iota3A_0, %rem3A : vector<16x2048xi32>
    %ne3A_19 = arith.constant 0 : i32
    %ne3A_20 = vector.broadcast %ne3A_19 : i32 to vector<16x2048xi32>
    %ne3A_21 = arith.cmpi ne, %rem3A_18, %ne3A_20 : vector<16x2048xi32>
    %and3A = arith.andi %ne3A_17, %ne3A_21 : vector<16x2048xi1>
    %sub3A = arith.constant 1 : i32
    %sub3A_22 = vector.broadcast %sub3A : i32 to vector<16x2048xi32>
    %sub3A_23 = arith.subi %div3A_1, %sub3A_22 : vector<16x2048xi32>
    %select_n3A = arith.select %and3A, %sub3A_23, %div3A_1 : vector<16x2048xi1>, vector<16x2048xi32>
    %mul3A = arith.constant 2048 : i32
    %mul3A_24 = vector.broadcast %mul3A : i32 to vector<16x2048xi32>
    %mul3A_25 = arith.muli %select_n3A, %mul3A_24 : vector<16x2048xi32>
    %add3A = arith.addi %iota3A, %mul3A_25 : vector<16x2048xi32>
    %convert_element_type3A = arith.sitofp %add3A : vector<16x2048xi32> to vector<16x2048xf32>
    %concatenate3A = tpu.concatenate %convert_element_type3A, %convert_element_type3A, %convert_element_type3A in 0 : vector<16x2048xf32>, vector<16x2048xf32>, vector<16x2048xf32> -> vector<48x2048xf32>
    %get3A = arith.constant 0 : index
    %get3A_26 = arith.constant 0 : index
    %get3A_27 = vector.load %arg0[%get3A, %get3A_26] : memref<48x2048xf32, #tpu.memory_space<vmem>>, vector<48x2048xf32>
    %slice3A = vector.extract_strided_slice %get3A_27 {offsets = [0, 0], sizes = [16, 2048], strides = [1, 1]} : vector<48x2048xf32> to vector<16x2048xf32>
    %slice3A_28 = vector.extract_strided_slice %get3A_27 {offsets = [16, 0], sizes = [16, 2048], strides = [1, 1]} : vector<48x2048xf32> to vector<16x2048xf32>
    %slice3A_29 = vector.extract_strided_slice %get3A_27 {offsets = [32, 0], sizes = [16, 2048], strides = [1, 1]} : vector<48x2048xf32> to vector<16x2048xf32>
    %iota3A_30 = tpu.iota {dimensions = array<i32: 1>} : vector<16x1024xi32>
    %broadcast_in_dim3A = arith.constant 1.000000e+10 : f32
    %broadcast_in_dim3A_31 = vector.broadcast %broadcast_in_dim3A : f32 to vector<16x2048xf32>
    %broadcast_in_dim3A_32 = arith.constant 0.000000e+00 : f32
    %broadcast_in_dim3A_33 = vector.broadcast %broadcast_in_dim3A_32 : f32 to vector<16x1024xf32>
    %get3A_34 = arith.constant 0 : index
    %get3A_35 = arith.constant 0 : index
    %get3A_36 = vector.load %arg1[%get3A_34, %get3A_35] : memref<4x1xi32, #tpu.memory_space<vmem>>, vector<4x1xi32>
    %convert_element_type3A_37 = arith.sitofp %get3A_36 : vector<4x1xi32> to vector<4x1xf32>
    %scan3A = arith.constant 0 : i32
    %scan3A_38 = arith.constant 1024 : i32
    %scan3A_39 = arith.addi %scan3A, %scan3A_38 : i32
    %scan3A_40 = arith.constant 1 : i32
    %scan3A_41:3 = scf.for %scan3A_65 = %scan3A to %scan3A_39 step %scan3A_40 iter_args(%scan3A_66 = %broadcast_in_dim3A_31, %scan3A_67 = %convert_element_type3A_37, %scan3A_68 = %broadcast_in_dim3A_33) -> (vector<16x2048xf32>, vector<4x1xf32>, vector<16x1024xf32>)  : i32 {
      %concatenate3A_69 = tpu.concatenate %scan3A_67, %scan3A_67, %scan3A_67, %scan3A_67 in 0 : vector<4x1xf32>, vector<4x1xf32>, vector<4x1xf32>, vector<4x1xf32> -> vector<16x1xf32>
      %concatenate3A_70 = tpu.concatenate %concatenate3A_69, %concatenate3A_69, %concatenate3A_69 in 0 : vector<16x1xf32>, vector<16x1xf32>, vector<16x1xf32> -> vector<48x1xf32>
      %eq3A = vector.broadcast %concatenate3A_70 : vector<48x1xf32> to vector<48x2048xf32>
      %eq3A_71 = arith.cmpf oeq, %concatenate3A, %eq3A : vector<48x2048xf32>
      %jit3A_72 = arith.constant -1.000000e+30 : f32
      %broadcast_in_dim3A_73 = vector.broadcast %jit3A_72 : f32 to vector<48x2048xf32>
      %select_n3A_74 = arith.select %eq3A_71, %get3A_27, %broadcast_in_dim3A_73 : vector<48x2048xi1>, vector<48x2048xf32>
      %reduce_max3A = arith.constant dense<0xFF800000> : vector<48xf32>
      %reduce_max3A_75 = vector.multi_reduction <maximumf>, %select_n3A_74, %reduce_max3A [1] : vector<48x2048xf32> to vector<48xf32>
      %broadcast_in_dim3A_76 = vector.shape_cast %reduce_max3A_75 : vector<48xf32> to vector<48x1xf32>
      %slice3A_77 = vector.extract_strided_slice %broadcast_in_dim3A_76 {offsets = [0, 0], sizes = [16, 1], strides = [1, 1]} : vector<48x1xf32> to vector<16x1xf32>
      %slice3A_78 = vector.extract_strided_slice %slice3A_77 {offsets = [0, 0], sizes = [4, 1], strides = [1, 1]} : vector<16x1xf32> to vector<4x1xf32>
      %slice3A_79 = vector.extract_strided_slice %slice3A_77 {offsets = [4, 0], sizes = [4, 1], strides = [1, 1]} : vector<16x1xf32> to vector<4x1xf32>
      %max3A = arith.maximumf %slice3A_78, %slice3A_79 : vector<4x1xf32>
      %slice3A_80 = vector.extract_strided_slice %slice3A_77 {offsets = [8, 0], sizes = [4, 1], strides = [1, 1]} : vector<16x1xf32> to vector<4x1xf32>
      %slice3A_81 = vector.extract_strided_slice %slice3A_77 {offsets = [12, 0], sizes = [4, 1], strides = [1, 1]} : vector<16x1xf32> to vector<4x1xf32>
      %max3A_82 = arith.maximumf %slice3A_80, %slice3A_81 : vector<4x1xf32>
      %max3A_83 = arith.maximumf %max3A, %max3A_82 : vector<4x1xf32>
      %slice3A_84 = vector.extract_strided_slice %broadcast_in_dim3A_76 {offsets = [16, 0], sizes = [16, 1], strides = [1, 1]} : vector<48x1xf32> to vector<16x1xf32>
      %slice3A_85 = vector.extract_strided_slice %slice3A_84 {offsets = [0, 0], sizes = [4, 1], strides = [1, 1]} : vector<16x1xf32> to vector<4x1xf32>
      %slice3A_86 = vector.extract_strided_slice %slice3A_84 {offsets = [4, 0], sizes = [4, 1], strides = [1, 1]} : vector<16x1xf32> to vector<4x1xf32>
      %max3A_87 = arith.maximumf %slice3A_85, %slice3A_86 : vector<4x1xf32>
      %slice3A_88 = vector.extract_strided_slice %slice3A_84 {offsets = [8, 0], sizes = [4, 1], strides = [1, 1]} : vector<16x1xf32> to vector<4x1xf32>
      %slice3A_89 = vector.extract_strided_slice %slice3A_84 {offsets = [12, 0], sizes = [4, 1], strides = [1, 1]} : vector<16x1xf32> to vector<4x1xf32>
      %max3A_90 = arith.maximumf %slice3A_88, %slice3A_89 : vector<4x1xf32>
      %max3A_91 = arith.maximumf %max3A_87, %max3A_90 : vector<4x1xf32>
      %slice3A_92 = vector.extract_strided_slice %broadcast_in_dim3A_76 {offsets = [32, 0], sizes = [16, 1], strides = [1, 1]} : vector<48x1xf32> to vector<16x1xf32>
      %slice3A_93 = vector.extract_strided_slice %slice3A_92 {offsets = [0, 0], sizes = [4, 1], strides = [1, 1]} : vector<16x1xf32> to vector<4x1xf32>
      %slice3A_94 = vector.extract_strided_slice %slice3A_92 {offsets = [4, 0], sizes = [4, 1], strides = [1, 1]} : vector<16x1xf32> to vector<4x1xf32>
      %max3A_95 = arith.maximumf %slice3A_93, %slice3A_94 : vector<4x1xf32>
      %slice3A_96 = vector.extract_strided_slice %slice3A_92 {offsets = [8, 0], sizes = [4, 1], strides = [1, 1]} : vector<16x1xf32> to vector<4x1xf32>
      %slice3A_97 = vector.extract_strided_slice %slice3A_92 {offsets = [12, 0], sizes = [4, 1], strides = [1, 1]} : vector<16x1xf32> to vector<4x1xf32>
      %max3A_98 = arith.maximumf %slice3A_96, %slice3A_97 : vector<4x1xf32>
      %max3A_99 = arith.maximumf %max3A_95, %max3A_98 : vector<4x1xf32>
      %concatenate3A_100 = tpu.concatenate %scan3A_67, %max3A_83, %max3A_91, %max3A_99 in 0 : vector<4x1xf32>, vector<4x1xf32>, vector<4x1xf32>, vector<4x1xf32> -> vector<16x1xf32>
      %eq3A_101 = vector.broadcast %scan3A_65 : i32 to vector<16x1024xi32>
      %eq3A_102 = arith.cmpi eq, %iota3A_30, %eq3A_101 : vector<16x1024xi32>
      %broadcast_in_dim3A_103 = vector.shape_cast %concatenate3A_100 : vector<16x1xf32> to vector<16x1xf32>
      %broadcast_in_dim3A_104 = vector.broadcast %broadcast_in_dim3A_103 : vector<16x1xf32> to vector<16x1024xf32>
      %select_n3A_105 = arith.select %eq3A_102, %broadcast_in_dim3A_104, %scan3A_68 : vector<16x1024xi1>, vector<16x1024xf32>
      %concatenate3A_106 = tpu.concatenate %max3A_83, %max3A_83, %max3A_83, %max3A_83 in 0 : vector<4x1xf32>, vector<4x1xf32>, vector<4x1xf32>, vector<4x1xf32> -> vector<16x1xf32>
      %concatenate3A_107 = tpu.concatenate %max3A_91, %max3A_91, %max3A_91, %max3A_91 in 0 : vector<4x1xf32>, vector<4x1xf32>, vector<4x1xf32>, vector<4x1xf32> -> vector<16x1xf32>
      %concatenate3A_108 = tpu.concatenate %max3A_99, %max3A_99, %max3A_99, %max3A_99 in 0 : vector<4x1xf32>, vector<4x1xf32>, vector<4x1xf32>, vector<4x1xf32> -> vector<16x1xf32>
      %sub3A_109 = vector.broadcast %concatenate3A_106 : vector<16x1xf32> to vector<16x2048xf32>
      %sub3A_110 = arith.subf %slice3A, %sub3A_109 : vector<16x2048xf32>
      %sub3A_111 = vector.broadcast %concatenate3A_107 : vector<16x1xf32> to vector<16x2048xf32>
      %sub3A_112 = arith.subf %slice3A_28, %sub3A_111 : vector<16x2048xf32>
      %sub3A_113 = vector.broadcast %concatenate3A_108 : vector<16x1xf32> to vector<16x2048xf32>
      %sub3A_114 = arith.subf %slice3A_29, %sub3A_113 : vector<16x2048xf32>
      %mul3A_115 = arith.mulf %sub3A_110, %sub3A_110 : vector<16x2048xf32>
      %mul3A_116 = arith.mulf %sub3A_112, %sub3A_112 : vector<16x2048xf32>
      %add3A_117 = arith.addf %mul3A_115, %mul3A_116 : vector<16x2048xf32>
      %mul3A_118 = arith.mulf %sub3A_114, %sub3A_114 : vector<16x2048xf32>
      %add3A_119 = arith.addf %add3A_117, %mul3A_118 : vector<16x2048xf32>
      %min3A = arith.minimumf %scan3A_66, %add3A_119 : vector<16x2048xf32>
      %reduce_max3A_120 = arith.constant dense<0xFF800000> : vector<16xf32>
      %reduce_max3A_121 = vector.multi_reduction <maximumf>, %min3A, %reduce_max3A_120 [1] : vector<16x2048xf32> to vector<16xf32>
      %broadcast_in_dim3A_122 = vector.shape_cast %reduce_max3A_121 : vector<16xf32> to vector<16x1xf32>
      %slice3A_123 = vector.extract_strided_slice %broadcast_in_dim3A_122 {offsets = [0, 0], sizes = [4, 1], strides = [1, 1]} : vector<16x1xf32> to vector<4x1xf32>
      %slice3A_124 = vector.extract_strided_slice %broadcast_in_dim3A_122 {offsets = [4, 0], sizes = [4, 1], strides = [1, 1]} : vector<16x1xf32> to vector<4x1xf32>
      %max3A_125 = arith.maximumf %slice3A_123, %slice3A_124 : vector<4x1xf32>
      %slice3A_126 = vector.extract_strided_slice %broadcast_in_dim3A_122 {offsets = [8, 0], sizes = [4, 1], strides = [1, 1]} : vector<16x1xf32> to vector<4x1xf32>
      %slice3A_127 = vector.extract_strided_slice %broadcast_in_dim3A_122 {offsets = [12, 0], sizes = [4, 1], strides = [1, 1]} : vector<16x1xf32> to vector<4x1xf32>
      %max3A_128 = arith.maximumf %slice3A_126, %slice3A_127 : vector<4x1xf32>
      %max3A_129 = arith.maximumf %max3A_125, %max3A_128 : vector<4x1xf32>
      %concatenate3A_130 = tpu.concatenate %max3A_129, %max3A_129, %max3A_129, %max3A_129 in 0 : vector<4x1xf32>, vector<4x1xf32>, vector<4x1xf32>, vector<4x1xf32> -> vector<16x1xf32>
      %eq3A_131 = vector.broadcast %concatenate3A_130 : vector<16x1xf32> to vector<16x2048xf32>
      %eq3A_132 = arith.cmpf oeq, %min3A, %eq3A_131 : vector<16x2048xf32>
      %jit3A_133 = arith.constant 8.192000e+03 : f32
      %broadcast_in_dim3A_134 = vector.broadcast %jit3A_133 : f32 to vector<16x2048xf32>
      %select_n3A_135 = arith.select %eq3A_132, %convert_element_type3A, %broadcast_in_dim3A_134 : vector<16x2048xi1>, vector<16x2048xf32>
      %reduce_min3A = arith.constant dense<0x7F800000> : vector<16xf32>
      %reduce_min3A_136 = vector.multi_reduction <minimumf>, %select_n3A_135, %reduce_min3A [1] : vector<16x2048xf32> to vector<16xf32>
      %broadcast_in_dim3A_137 = vector.shape_cast %reduce_min3A_136 : vector<16xf32> to vector<16x1xf32>
      %slice3A_138 = vector.extract_strided_slice %broadcast_in_dim3A_137 {offsets = [0, 0], sizes = [4, 1], strides = [1, 1]} : vector<16x1xf32> to vector<4x1xf32>
      %slice3A_139 = vector.extract_strided_slice %broadcast_in_dim3A_137 {offsets = [4, 0], sizes = [4, 1], strides = [1, 1]} : vector<16x1xf32> to vector<4x1xf32>
      %min3A_140 = arith.minimumf %slice3A_138, %slice3A_139 : vector<4x1xf32>
      %slice3A_141 = vector.extract_strided_slice %broadcast_in_dim3A_137 {offsets = [8, 0], sizes = [4, 1], strides = [1, 1]} : vector<16x1xf32> to vector<4x1xf32>
      %slice3A_142 = vector.extract_strided_slice %broadcast_in_dim3A_137 {offsets = [12, 0], sizes = [4, 1], strides = [1, 1]} : vector<16x1xf32> to vector<4x1xf32>
      %min3A_143 = arith.minimumf %slice3A_141, %slice3A_142 : vector<4x1xf32>
      %min3A_144 = arith.minimumf %min3A_140, %min3A_143 : vector<4x1xf32>
      scf.yield %min3A, %min3A_144, %select_n3A_105 : vector<16x2048xf32>, vector<4x1xf32>, vector<16x1024xf32>
    }
    %scan3A_42 = arith.constant 1024 : i32
    %slice3A_43 = vector.extract_strided_slice %scan3A_41#2 {offsets = [0, 0], sizes = [4, 1024], strides = [1, 1]} : vector<16x1024xf32> to vector<4x1024xf32>
    %convert_element_type3A_44 = arith.fptosi %slice3A_43 : vector<4x1024xf32> to vector<4x1024xi32>
    %swap3A = arith.constant 0 : index
    %swap3A_45 = arith.constant 0 : index
    %swap3A_46 = vector.load %arg2[%swap3A, %swap3A_45] : memref<4x1024xi32, #tpu.memory_space<vmem>>, vector<4x1024xi32>
    tpu.vector_store %arg2[%swap3A, %swap3A_45], %convert_element_type3A_44 {strides = array<i32>} : memref<4x1024xi32, #tpu.memory_space<vmem>>, vector<4x1024xi32>,
    %slice3A_47 = vector.extract_strided_slice %scan3A_41#2 {offsets = [4, 0], sizes = [4, 1024], strides = [1, 1]} : vector<16x1024xf32> to vector<4x1024xf32>
    %broadcast_in_dim3A_48 = vector.shape_cast %slice3A_47 : vector<4x1024xf32> to vector<4x1024x1xf32>
    %swap3A_49 = arith.constant 0 : index
    %swap3A_50 = arith.constant 0 : index
    %swap3A_51 = arith.constant 0 : index
    %swap3A_52 = vector.load %arg3[%swap3A_49, %swap3A_50, %swap3A_51] : memref<4x1024x3xf32, #tpu.memory_space<vmem>>, vector<4x1024x1xf32>
    tpu.vector_store %arg3[%swap3A_49, %swap3A_50, %swap3A_51], %broadcast_in_dim3A_48 {strides = array<i32>} : memref<4x1024x3xf32, #tpu.memory_space<vmem>>, vector<4x1024x1xf32>,
    %slice3A_53 = vector.extract_strided_slice %scan3A_41#2 {offsets = [8, 0], sizes = [4, 1024], strides = [1, 1]} : vector<16x1024xf32> to vector<4x1024xf32>
    %broadcast_in_dim3A_54 = vector.shape_cast %slice3A_53 : vector<4x1024xf32> to vector<4x1024x1xf32>
    %swap3A_55 = arith.constant 0 : index
    %swap3A_56 = arith.constant 0 : index
    %swap3A_57 = arith.constant 1 : index
    %swap3A_58 = vector.load %arg3[%swap3A_55, %swap3A_56, %swap3A_57] : memref<4x1024x3xf32, #tpu.memory_space<vmem>>, vector<4x1024x1xf32>
    tpu.vector_store %arg3[%swap3A_55, %swap3A_56, %swap3A_57], %broadcast_in_dim3A_54 {strides = array<i32>} : memref<4x1024x3xf32, #tpu.memory_space<vmem>>, vector<4x1024x1xf32>,
    %slice3A_59 = vector.extract_strided_slice %scan3A_41#2 {offsets = [12, 0], sizes = [4, 1024], strides = [1, 1]} : vector<16x1024xf32> to vector<4x1024xf32>
    %broadcast_in_dim3A_60 = vector.shape_cast %slice3A_59 : vector<4x1024xf32> to vector<4x1024x1xf32>
    %swap3A_61 = arith.constant 0 : index
    %swap3A_62 = arith.constant 0 : index
    %swap3A_63 = arith.constant 2 : index
    %swap3A_64 = vector.load %arg3[%swap3A_61, %swap3A_62, %swap3A_63] : memref<4x1024x3xf32, #tpu.memory_space<vmem>>, vector<4x1024x1xf32>
    tpu.vector_store %arg3[%swap3A_61, %swap3A_62, %swap3A_63], %broadcast_in_dim3A_60 {strides = array<i32>} : memref<4x1024x3xf32, #tpu.memory_space<vmem>>, vector<4x1024x1xf32>,
    return
  }
}

</mosaic_0001>

<sc_bundles>
// kernel: kernel.5.cloned.1.call-start
scs
__scs_entry_jumppad:
0x0: {  	(pc) =	sbr.rel $0x88, $3  }
0x1: {  	(tag) =	ssettag $0x0;
	lr =	simm.s32 $0x1  }
0x2: {  	[smem:$0x3F9E] =	sst lr;
	_ =	strace $0xD0000000  }
0x3: {  	_ = 	snop  }
0x4: {  	_ = 	snop  }
0x5: {  	_ = 	snop  }
0x6: {  	_ = 	snop  }
0x7: {  	_ = 	snop  }
__scs_overlays_trampoline_lowered:
0x8: {  	[smem:$0x3FAD] =	sst s0  }
0x9: {  	[smem:$0x3FAE] =	sst s1  }
0xa: {  	[smem:$0x3FAF] =	sst s2  }
0xb: {  	[smem:$0x3FB0] =	sst s3  }
0xc: {  	[smem:$0x3FB1] =	sst s4  }
0xd: {  	[smem:$0x3FB2] =	sst s5  }
0xe: {  	[smem:$0x3FB3] =	sst s6  }
0xf: {  	[smem:$0x3FB4] =	sst s7  }
0x10: {  	[smem:$0x3FB5] =	sst s8  }
0x11: {  	[smem:$0x3FB6] =	sst s9;
	s0 =	simm.s32 @!p0 $0x0  }
0x12: {  	s1 =	sld [smem:$0x3F9C];
	s0 =	simm.s32 @p0 $0x1  }
0x13: {  	[smem:$0x3FB7] =	sst s0;
	s0 =	simm.s32 @!p1 $0x0  }
0x14: {  	s2 =	sld [smem:$0x3F9B];
	s0 =	simm.s32 @p1 $0x1  }
0x15: {  	[smem:$0x3FB8] =	sst s0;
	s0 =	simm.s32 @!p2 $0x0  }
0x16: {  	s3 =	sld [smem:$0x3FDB];
	s0 =	simm.s32 @p2 $0x1  }
0x17: {  	s4 =	simm.s32 $0x1BF5;
	[smem:$0x3FBA] =	sst s0  }
0x18: {  	s0 =	sld [smem:$0x3F9D];
	_ =	swait.ge [sflag:s4], $0x0  }
0x19: {  	s7 =	sld [smem:$0x3F9E]  }
0x1a: {  	s8 =	sadd.s32 $0xFFFFE003, lr  }
0x1b: {  	s9 =	sadd.s32 $0xFFFFFEF7, lr;
	s5 =	simm.s32 $0xFFFFFFFF;
	p2 =	slt.u32 s8, $0xFFFFF086  }
0x1c: {  	p1 =	slt.u32 s9, $0xF7A;
	s5 =	simm.s32 @!p2 $0x0  }
0x1d: {  	s5 =	simm.s32 @p1 $0x1;
	p0 =	seq.s32 s7, s2  }
0x1e: {  	s7 =	smul.u32 @!p0 $0xF7A, s2;
	p2 =	seq.s32 @!p0 s5, $0x0  }
0x1f: {  	s9 =	smul.u32 $0xF7A, s1;
	s8 =	simm.s32 @!p0 $0x1BF5;
	p2 =	por !p2, p0  }
0x20: {  	[sflag:s8] =	ssyncset.s32 @!p0 $0xFFFFF086;
	s6 =	sadd.s32 @!p0 s3, s7;
	s7 =	simm.s32 @!p0 $0x108  }
0x21: {  	s3 =	sadd.s32 s3, s9;
	s6 =	sadd.s32 @!p0 $0x88, s6;
	s7 =	simm.s32 @p2 $0x1082  }
0x22: {  	[simem:s7], [sflag:s8] =	dma.local @!p0 [hbm:s6], $0xF7A  }
0x23: {  	s9 =	sor.u32 $0xD0000000, s2;
	s6 =	simm.s32 $0x108;
	_ =	swait.ge @!p0 [sflag:s8], $0x0  }
0x24: {  	s3 =	sadd.s32 $0x88, s3;
	s6 =	simm.s32 @!p1 $0x1082;
	[sflag:s4] =	ssyncset.s32 $0xFFFFF086  }
0x25: {  	[simem:s6], [sflag:s4] =	dma.local [hbm:s3], $0xF7A  }
0x26: {  	[smem:$0x3F9E] =	sst s1;
	(tag) =	ssettag s2;
	_ =	strace s9  }
0x27: {  	s1 =	sld [smem:$0x3FAE]  }
0x28: {  	s2 =	sld [smem:$0x3FAF]  }
0x29: {  	s4 =	sld [smem:$0x3FB1]  }
0x2a: {  	p0 =	seq.s32 s5, $0x0;
	s5 =	sld [smem:$0x3FB2]  }
0x2b: {  	s6 =	sld [smem:$0x3FB3]  }
0x2c: {  	s7 =	sld [smem:$0x3FB4]  }
0x2d: {  	s3 =	simm.s32 $0x108;
	s8 =	sld [smem:$0x3FB5]  }
0x2e: {  	s3 =	simm.s32 @!p0 $0x1082;
	s9 =	sld [smem:$0x3FB6]  }
0x2f: {  	lr =	sadd.s32 s0, s3;
	s0 =	sld [smem:$0x3FAD]  }
0x30: {  	s3 =	sld [smem:$0x3FB0]  }
0x31: {  	[smem:$0x3FB9] =	sst s10  }
0x32: {  	s10 =	sld [smem:$0x3FB7];
	_ =	sdelay $0x3  }
0x33: {  	p0 =	seq.s32 s10, $0x1;
	s10 =	sld [smem:$0x3FB9];
	_ =	sdelay $0x3  }
0x34: {  	[smem:$0x3FB9] =	sst s10  }
0x35: {  	s10 =	sld [smem:$0x3FB8];
	_ =	sdelay $0x3  }
0x36: {  	p1 =	seq.s32 s10, $0x1;
	s10 =	sld [smem:$0x3FB9];
	_ =	sdelay $0x3  }
0x37: {  	[smem:$0x3FB9] =	sst s10  }
0x38: {  	s10 =	sld [smem:$0x3FBA]  }
0x39: {  	_ = 	snop;
	(pc) =	sbr.ind lr, $3  }
0x3a: {  	_ = 	snop  }
0x3b: {  	_ = 	snop  }
0x3c: {  	p2 =	seq.s32 s10, $0x1;
	s10 =	sld [smem:$0x3FB9]  }
0x3d: {  	_ =	shalt  }
0x3e: {  	_ =	shalt  }
0x3f: {  	_ =	shalt  }
0x40: {  	_ =	shalt  }
0x41: {  	_ =	shalt  }
0x42: {  	_ =	shalt  }
0x43: {  	_ =	shalt  }
0x44: {  	_ =	shalt  }
0x45: {  	_ =	shalt  }
0x46: {  	_ =	shalt  }
0x47: {  	_ =	shalt  }
0x48: {  	_ =	shalt  }
0x49: {  	_ =	shalt  }
0x4a: {  	_ =	shalt  }
0x4b: {  	_ =	shalt  }
0x4c: {  	_ =	shalt  }
0x4d: {  	_ =	shalt  }
0x4e: {  	_ =	shalt  }
0x4f: {  	_ =	shalt  }
0x50: {  	_ =	shalt  }
0x51: {  	_ =	shalt  }
0x52: {  	_ =	shalt  }
0x53: {  	_ =	shalt  }
0x54: {  	_ =	shalt  }
0x55: {  	_ =	shalt  }
0x56: {  	_ =	shalt  }
0x57: {  	_ =	shalt  }
0x58: {  	_ =	shalt  }
0x59: {  	_ =	shalt  }
0x5a: {  	_ =	shalt  }
0x5b: {  	_ =	shalt  }
0x5c: {  	_ =	shalt  }
0x5d: {  	_ =	shalt  }
0x5e: {  	_ =	shalt  }
0x5f: {  	_ =	shalt  }
0x60: {  	_ =	shalt  }
0x61: {  	_ =	shalt  }
0x62: {  	_ =	shalt  }
0x63: {  	_ =	shalt  }
0x64: {  	_ =	shalt  }
0x65: {  	_ =	shalt  }
0x66: {  	_ =	shalt  }
0x67: {  	_ =	shalt  }
0x68: {  	_ =	shalt  }
0x69: {  	_ =	shalt  }
0x6a: {  	_ =	shalt  }
0x6b: {  	_ =	shalt  }
0x6c: {  	_ =	shalt  }
0x6d: {  	_ =	shalt  }
0x6e: {  	_ =	shalt  }
0x6f: {  	_ =	shalt  }
0x70: {  	_ =	shalt  }
0x71: {  	_ =	shalt  }
0x72: {  	_ =	shalt  }
0x73: {  	_ =	shalt  }
0x74: {  	_ =	shalt  }
0x75: {  	_ =	shalt  }
0x76: {  	_ =	shalt  }
0x77: {  	_ =	shalt  }
0x78: {  	_ =	shalt  }
0x79: {  	_ =	shalt  }
0x7a: {  	_ =	shalt  }
0x7b: {  	_ =	shalt  }
0x7c: {  	_ =	shalt  }
0x7d: {  	_ =	shalt  }
0x7e: {  	_ =	shalt  }
0x7f: {  	_ =	shalt  }
0x80: {  	_ =	shalt  }
0x81: {  	_ =	shalt  }
0x82: {  	_ =	shalt  }
0x83: {  	_ =	shalt  }
0x84: {  	_ =	shalt  }
0x85: {  	_ =	shalt  }
0x86: {  	_ =	shalt  }
0x87: {  	_ =	shalt  }
.Lfunc_end0:
.L_simem_size_0:
called_computation_lowered:
.L_overlay_start_0:
0x88: {  	s2 =	sld [smem:$0x3FD9]  }
0x89: {  	s3 =	sld [smem:$0x3FFE];
	_ =	sdelay $0x1  }
0x8a: {  	s1 =	srdreg.scid  }
0x8b: {  	s0 =	sand.u32 $0x1, s1  }
0x8c: {  	s14 =	sshll.u32 s0, $0xA;
	s2 =	sadd.s32 s3, s2  }
0x8d: {  	s2 =	sadd.s32 s2, s14  }
0x8e: {  	[smem:$0x3FC5] =	sst s2  }
0x8f: {  	_ = 	snop  }
0x90: {  	s2 =	sld [smem:$0x3FD0];
	_ =	sdelay $0x2  }
0x91: {  	s4 =	simm.s32 $0xA;
	s5 =	simm.s32 $0x10;
	s15 =	sld [smem:$0x3FC8]  }
0x92: {  	[smem:s5], [sflag:s4] =	dma.local [hbm:s2], $0x1  }
0x93: {  	_ =	swait.eq [sflag:s4], $0x1  }
0x94: {  	[sflag:s4] =	ssyncset.done $0x0  }
0x95: {  	[sflag:s4] =	ssyncadd.s32 $0xFFFFFFFF  }
0x96: {  	s16 =	sld [smem:$0x11];
	(tm) =	ssettm $0x1  }
0x97: {  	s17 =	sld [smem:$0x3FFB];
	_ =	sdelay $0x3  }
0x98: {  	_ =	strace s17  }
0x99: {  	s4 =	sld [smem:$0x3FFC];
	_ =	sdelay $0x3  }
0x9a: {  	_ =	strace s4  }
0x9b: {  	s4 =	sld [smem:$0x3FFD];
	_ =	sdelay $0x3  }
0x9c: {  	_ =	strace s4  }
0x9d: {  	_ =	strace $0x8FFFFFFF  }
0x9e: {  	s18 =	sld [smem:$0x3FDB];
	_ =	sdelay $0x1  }
0x9f: {  	s19 =	simm.s32 $_scs_section_size  }
0xa0: {  	s6 =	simm.s32 $_size__tile_overlayer_lowered;
	s7 =	simm.s32 $_tile_overlayer_lowered  }
0xa1: {  	s22 =	simm.s32 $0x1BFF;
	s21 =	sshll.u32 s7, $0x1;
	s4 =	sadd.s32 s19, s18  }
0xa2: {  	s8 =	simm.s32 $0x0;
	s20 =	sshll.u32 s6, $0x1;
	s6 =	sadd.s32 s21, s4  }
0xa3: {  	[timem:s8], [sflag:s22] =	dma.local [hbm:s6], s20  }
0xa4: {  	_ =	swait.ge [sflag:s22], s20  }
0xa5: {  	s5 =	ssub.s32 $0x0, s20;
	[sflag:s22] =	ssyncset.done $0x0  }
0xa6: {  	[sflag:s22] =	ssyncadd.s32 s5;
	_ =	sdelay $0x1  }
0xa7: {  	s23 =	simm.s32 $0x1B8B  }
0xa8: {  	_ =	swait.ge [sflag:s23], $0x1  }
0xa9: {  	[sflag:s23] =	ssyncset.done $0x0  }
0xaa: {  	s25 =	simm.s32 $0x1B8E;
	s24 =	sld [smem:$0x3FFE];
	[sflag:s23] =	ssyncadd.s32 $0xFFFFFFFF  }
0xab: {  	s26 =	simm.s32 $execute0_lowered;
	[smem:$0x3FD2] =	sst s25  }
0xac: {  	s6 =	sshll.u32 s26, $0x1;
	_ =	strace $0x80000046;
	[dreg:$0x1] =	wrdreg $0xFFFFFFFF  }
0xad: {  	s28 =	simm.s32 $_size_execute0_lowered;
	s4 =	sadd.s32 s4, s6;
	[dreg:$0x0] =	wrdreg $0x0  }
0xae: {  	s6 =	sshll.u32 s28, $0x1;
	[dreg:$0x2] =	wrdreg s4  }
0xaf: {  	[dreg:$0x3] =	wrdreg s6  }
0xb0: {  	[dreg:$0x4] =	wrdreg $0xC0  }
0xb1: {  	_ =	task [dreg:s8], $0x5FFFF  }
0xb2: {  	[dreg:$0x1] =	wrdreg $0xFFFFFFFF  }
0xb3: {  	[dreg:$0x0] =	wrdreg $0x60  }
0xb4: {  	[dreg:$0x2] =	wrdreg s15  }
0xb5: {  	[dreg:$0x3] =	wrdreg s24  }
0xb6: {  	[dreg:$0x4] =	wrdreg s16  }
0xb7: {  	[dreg:$0x5] =	wrdreg $0x9  }
0xb8: {  	_ =	task.clear_ibuf [dreg:s8], $0x6FFFF;
	_ =	strace $0x90000046  }
0xb9: {  	s29 =	simm.s32 $0x9;
	_ =	strace $0x80000048  }
0xba: {  	_ =	swait.ge [sflag:s29], $0x1  }
0xbb: {  	[sflag:s29] =	ssyncadd.s32 $0xFFFFFFFF  }
0xbc: {  	_ =	strace $0x90000048  }
0xbd: {  	_ =	sfence  }
0xbe: {  	s30 =	sld [smem:$0x0];
	_ =	sdelay $0x2  }
0xbf: {  	s31 =	sshll.u32 s1, $0xD;
	s1 =	sshrl.u32 s1, $0x2  }
0xc0: {  	s3 =	sand.u32 $0x4000, s31;
	s1 =	sadd.s32 s1, s30  }
0xc1: {  	s0 =	sor.u32 s3, s0;
	s1 =	sshll.u32 s1, $0x11  }
0xc2: {  	s0 =	sor.u32 s1, s0  }
0xc3: {  	s0 =	sadd.s32 $0x8F2B, s0  }
0xc4: {  	[sflag:s0] =	ssyncadd.remote.s32 $0x1  }
0xc5: {  	_ =	sfence.sel $0xFFFF  }
0xc6: {  	[dreg:$0x0] =	wrdreg $0xFFFFFFFF;
	(pc) =	sbr.abs _section_cstart, $3  }
0xc7: {  	[dreg:$0x1] =	wrdreg $0xFFFFFFFF  }
0xc8: {  	_ =	task.clear_ibuf [dreg:s8], $0x2FFFF;
	_ =	strace $0x9FFFFFFF  }
0xc9: {  	(tm) =	ssettm $0x7FFFFFFF  }
tec
execute0_lowered:
.L_overlay_start_1:
0x0: {  	(tag) =	ssettag $0x1  }
0x1: {  	s1 =	rddreg [dreg:$0x0]  }
0x2: {  	s6 =	rddreg [dreg:$0x1]  }
0x3: {  	s3 =	rddreg [dreg:$0x2]  }
0x4: {  	s0 =	rddreg [dreg:$0x3]  }
0x5: {  	s5 =	srdreg.scid;
	s4 =	simm.s32 $0x0;
	s2 =	stileid.u32  }
0x6: {  	s11 =	simm.s32 $0x80;
	s12 =	simm.s32 $0x4080;
	s13 =	simm.s32 $0x1  }
0x7: {  	s14 =	simm.s32 $0x20;
	s15 =	simm.s32 $0x8080;
	s16 =	simm.s32 $0x9080  }
0x8: {  	s17 =	simm.s32 $0x2;
	s18 =	simm.s32 $0x3;
	s7 =	sand.u32 $0x1, s5  }
0x9: {  	[smem:$0x7FF] =	sst s4;
	s8 =	sshll.u32 s2, $0x7;
	s5 =	sshll.u32 s7, $0xB  }
0xa: {  	s19 =	simm.s32 $0x0;
	_ =	strace $0x80000047;
	s5 =	sor.u32 s8, s5  }
0xb: {  	s7 =	ssub.s32 $0x2, s7;
	s8 =	sshll.u32 s5, $0x4;
	s9 =	sshrl.u32 s5, $0x3  }
0xc: {  	s31 =	sshrl.u32 s7, $0x1;
	s8 =	sadd.s32 s8, s6;
	s9 =	sadd.s32 s9, s6  }
0xd: {  	s10 =	ssub.s32 s7, s31;
	s6 =	sadd.s32 $0xE00, s8;
	s7 =	sadd.s32 $0xC00, s9  }
0xe: {  	s8 =	smax.u32 s10, $0x1;
	s9 =	simm.s32 $0x4;
	s10 =	simm.s32 $0x4000  }
.LBB2_1:
0xf: {  	[tilespmem:s4], [sflag:$0x4] =	stream.linear.gather [hbm4b:s6+s4], $0x4000, $0x38;
	[tilespmem:$0xA080] =	vst v63  }
0x10: {  	_ =	swait.ge [sflag:s9], $0x4000  }
0x11: {  	[sflag:s9] =	ssyncset.done $0x0  }
0x12: {  	[sflag:s9] =	ssyncadd.s32 $0xFFFFC000  }
0x13: {  	[tilespmem:s10], [sflag:$0x4] =	stream.linear.gather [hbm4b:s7+s4], $0x80, $0x38;
	[tilespmem:$0xA080] =	vst v63  }
0x14: {  	_ =	swait.ge [sflag:s9], $0x80  }
0x15: {  	[sflag:s9] =	ssyncset.done $0x0  }
0x16: {  	[sflag:s9] =	ssyncadd.s32 $0xFFFFFF80  }
0x17: {  	[tilespmem:s12], [sflag:$0x1] =	stream.indirect.gather [hbm4b:s1+s11], $0x80, s10, s11, $0xb8;
	[tilespmem:$0xA080] =	vst v63  }
0x18: {  	_ =	swait.ge [sflag:s13], $0x4000  }
0x19: {  	[sflag:s13] =	ssyncset.done $0x0  }
0x1a: {  	s20 =	simm.s32 $0x0;
	[sflag:s13] =	ssyncadd.s32 $0xFFFFC000  }
0x1b: {  	[tilespmem:s15], [sflag:$0x2] =	stream.indirect.gather [hbm4b:s1+s14], $0x80, s4, s14, $0xb8;
	[tilespmem:$0xA080] =	vst v63  }
.LBB2_2:
0x1c: {  	s21 =	sshllo.u32 s20, $0x1  }
0x1d: {  	s22 =	sshll.u32 s21, $0x7  }
0x1e: {  	[tilespmem:s16], [sflag:$0x3] =	stream.indirect.gather [hbm4b:s1+s14], $0x80, s22, s14, $0xb8;
	[tilespmem:$0xA080] =	vst v63  }
0x1f: {  	_ =	swait.ge [sflag:s17], $0x1000  }
0x20: {  	s23 =	sshll.u32 s20, $0x8;
	[sflag:s17] =	ssyncset.done $0x0  }
0x21: {  	s23 =	sand.u32 $0x3FFFFF00, s23;
	[sflag:s17] =	ssyncadd.s32 $0xFFFFF000  }
0x22: {  	v6 =	vld [tilespmem:s23+$0x4080]  }
0x23: {  	v7 =	vld [tilespmem:s23+$0x4090]  }
0x24: {  	v5 =	vld [tilespmem:s23+$0x40A0]  }
0x25: {  	v4 =	vld [tilespmem:s23+$0x40B0]  }
0x26: {  	v3 =	vld [tilespmem:s23+$0x40C0]  }
0x27: {  	v2 =	vld [tilespmem:s23+$0x40D0]  }
0x28: {  	v1 =	vld [tilespmem:s23+$0x40E0]  }
0x29: {  	v0 =	vld [tilespmem:s23+$0x40F0];
	s23 =	simm.s32 $0x0  }
0x2a: {  	v11 =	vld [tilespmem:s23+$0x8080]  }
0x2b: {  	v13 =	vld [tilespmem:s23+$0x8090]  }
0x2c: {  	v12 =	vld [tilespmem:s23+$0x80A0]  }
0x2d: {  	v10 =	vld [tilespmem:s23+$0x80B0]  }
0x2e: {  	v8 =	vld [tilespmem:s23+$0x80C0]  }
0x2f: {  	v9 =	vld [tilespmem:s23+$0x80D0];
	v14 =	vsub.f32 v11, v6  }
0x30: {  	s24 =	sshll.u32 s20, $0x1;
	s25 =	simm.s32 $0x200;
	v13 =	vsub.f32 v13, v7;
	v11 =	vld [tilespmem:s23+$0x80E0]  }
.LBB2_3:
0x31: {  	s26 =	sshra.s32 s25, $0x2;
	p0 =	sne.s32 s25, $0x3E00;
	[tilespmem:s23+$0x8080] =	vst v14;
	v12 =	vsub.f32 v12, v5;
	v14 =	vld [tilespmem:s23+$0x80F0]  }
0x32: {  	v15 =	vld [tilespmem:s26+$0x8080];
	[tilespmem:s23+$0x8090] =	vst v13;
	v10 =	vsub.f32 v10, v4  }
0x33: {  	v13 =	vld [tilespmem:s26+$0x8090];
	[tilespmem:s23+$0x80A0] =	vst v12;
	v8 =	vsub.f32 v8, v3  }
.Ltmp0:
0x34: {  	v12 =	vld [tilespmem:s26+$0x80A0];
	[tilespmem:s23+$0x80B0] =	vst v10;
	v9 =	vsub.f32 v9, v2;
	(pc) =	sbr.rel @p0 .LBB2_3-.Ltmp0, $4  }
0x35: {  	v10 =	vld [tilespmem:s26+$0x80B0];
	[tilespmem:s23+$0x80C0] =	vst v8;
	v11 =	vsub.f32 v11, v1  }
0x36: {  	v8 =	vld [tilespmem:s26+$0x80C0];
	[tilespmem:s23+$0x80D0] =	vst v9;
	v16 =	vsub.f32 v14, v0  }
0x37: {  	v14 =	vsub.f32 v15, v6;
	v9 =	vld [tilespmem:s26+$0x80D0];
	[tilespmem:s23+$0x80E0] =	vst v11  }
0x38: {  	s25 =	sadd.s32 $0x200, s25;
	v13 =	vsub.f32 v13, v7;
	v11 =	vld [tilespmem:s26+$0x80E0];
	[tilespmem:s23+$0x80F0] =	vst v16;
	s23 =	smov.u32 s26  }
0x39: {  	[tilespmem:s23+$0x8080] =	vst v14;
	v5 =	vsub.f32 v12, v5;
	v6 =	vld [tilespmem:s23+$0x80F0]  }
0x3a: {  	[tilespmem:s23+$0x8090] =	vst v13;
	v4 =	vsub.f32 v10, v4  }
0x3b: {  	[tilespmem:s23+$0x80A0] =	vst v5;
	v3 =	vsub.f32 v8, v3  }
0x3c: {  	[tilespmem:s23+$0x80B0] =	vst v4;
	v2 =	vsub.f32 v9, v2  }
0x3d: {  	[tilespmem:s23+$0x80C0] =	vst v3;
	v1 =	vsub.f32 v11, v1  }
0x3e: {  	s25 =	sadd.s32 s5, s24;
	[tilespmem:s23+$0x80D0] =	vst v2;
	v0 =	vsub.f32 v6, v0  }
0x3f: {  	s25 =	sshll.u32 s25, $0x9;
	[tilespmem:s23+$0x80E0] =	vst v1  }
0x40: {  	s30 =	simm.s32 $0x0;
	s29 =	sadd.s32 s3, s25;
	[tilespmem:s23+$0x80F0] =	vst v0  }
0x41: {  	[hbm4b:s29+s30] =	stream.linear.scatter [tilespmem:s15], [sflag:$0x4], $0x1000, $0x38;
	[tilespmem:$0xA080] =	vst v63  }
0x42: {  	s31 =	smin.u32 s24, $0x7D;
	_ =	swait.ge [sflag:s9], $0x1000  }
0x43: {  	s23 =	sshll.u32 s31, $0x7;
	[sflag:s9] =	ssyncset.done $0x0  }
0x44: {  	s23 =	sadd.s32 $0x100, s23;
	[sflag:s9] =	ssyncadd.s32 $0xFFFFF000  }
0x45: {  	[tilespmem:s15], [sflag:$0x2] =	stream.indirect.gather [hbm4b:s1+s14], $0x80, s23, s14, $0xb8;
	[tilespmem:$0xA080] =	vst v63  }
0x46: {  	_ =	swait.ge [sflag:s18], $0x1000  }
0x47: {  	[sflag:s18] =	ssyncset.done $0x0  }
0x48: {  	[sflag:s18] =	ssyncadd.s32 $0xFFFFF000  }
0x49: {  	v6 =	vld [tilespmem:s22+$0x4080]  }
0x4a: {  	v7 =	vld [tilespmem:s22+$0x4090]  }
0x4b: {  	v5 =	vld [tilespmem:s22+$0x40A0]  }
0x4c: {  	v4 =	vld [tilespmem:s22+$0x40B0]  }
0x4d: {  	v3 =	vld [tilespmem:s22+$0x40C0]  }
0x4e: {  	v2 =	vld [tilespmem:s22+$0x40D0]  }
0x4f: {  	v1 =	vld [tilespmem:s22+$0x40E0]  }
0x50: {  	v0 =	vld [tilespmem:s22+$0x40F0];
	s22 =	simm.s32 $0x0  }
0x51: {  	v11 =	vld [tilespmem:s22+$0x9080]  }
0x52: {  	v13 =	vld [tilespmem:s22+$0x9090]  }
0x53: {  	v12 =	vld [tilespmem:s22+$0x90A0]  }
0x54: {  	v10 =	vld [tilespmem:s22+$0x90B0]  }
0x55: {  	v8 =	vld [tilespmem:s22+$0x90C0]  }
0x56: {  	v9 =	vld [tilespmem:s22+$0x90D0];
	v14 =	vsub.f32 v11, v6  }
0x57: {  	s23 =	simm.s32 $0x200;
	v13 =	vsub.f32 v13, v7;
	v11 =	vld [tilespmem:s22+$0x90E0]  }
.LBB2_5:
0x58: {  	s24 =	sshra.s32 s23, $0x2;
	p0 =	sne.s32 s23, $0x3E00;
	[tilespmem:s22+$0x9080] =	vst v14;
	v12 =	vsub.f32 v12, v5;
	v14 =	vld [tilespmem:s22+$0x90F0]  }
0x59: {  	v15 =	vld [tilespmem:s24+$0x9080];
	[tilespmem:s22+$0x9090] =	vst v13;
	v10 =	vsub.f32 v10, v4  }
0x5a: {  	v13 =	vld [tilespmem:s24+$0x9090];
	[tilespmem:s22+$0x90A0] =	vst v12;
	v8 =	vsub.f32 v8, v3  }
.Ltmp1:
0x5b: {  	v12 =	vld [tilespmem:s24+$0x90A0];
	[tilespmem:s22+$0x90B0] =	vst v10;
	v9 =	vsub.f32 v9, v2;
	(pc) =	sbr.rel @p0 .LBB2_5-.Ltmp1, $4  }
0x5c: {  	v10 =	vld [tilespmem:s24+$0x90B0];
	[tilespmem:s22+$0x90C0] =	vst v8;
	v11 =	vsub.f32 v11, v1  }
0x5d: {  	v8 =	vld [tilespmem:s24+$0x90C0];
	[tilespmem:s22+$0x90D0] =	vst v9;
	v16 =	vsub.f32 v14, v0  }
0x5e: {  	v14 =	vsub.f32 v15, v6;
	v9 =	vld [tilespmem:s24+$0x90D0];
	[tilespmem:s22+$0x90E0] =	vst v11  }
0x5f: {  	s23 =	sadd.s32 $0x200, s23;
	v13 =	vsub.f32 v13, v7;
	v11 =	vld [tilespmem:s24+$0x90E0];
	[tilespmem:s22+$0x90F0] =	vst v16;
	s22 =	smov.u32 s24  }
0x60: {  	[tilespmem:s22+$0x9080] =	vst v14;
	v5 =	vsub.f32 v12, v5;
	v6 =	vld [tilespmem:s22+$0x90F0]  }
0x61: {  	[tilespmem:s22+$0x9090] =	vst v13;
	v4 =	vsub.f32 v10, v4  }
0x62: {  	[tilespmem:s22+$0x90A0] =	vst v5;
	v3 =	vsub.f32 v8, v3  }
0x63: {  	[tilespmem:s22+$0x90B0] =	vst v4;
	v2 =	vsub.f32 v9, v2  }
0x64: {  	[tilespmem:s22+$0x90C0] =	vst v3;
	v1 =	vsub.f32 v11, v1  }
0x65: {  	s21 =	sadd.s32 s5, s21;
	s20 =	sadd.s32 $0x1, s20;
	[tilespmem:s22+$0x90D0] =	vst v2;
	v0 =	vsub.f32 v6, v0  }
0x66: {  	s21 =	sshll.u32 s21, $0x9;
	p0 =	sne.s32 s20, $0x40;
	[tilespmem:s22+$0x90E0] =	vst v1  }
.Ltmp2:
0x67: {  	s21 =	sadd.s32 s3, s21;
	[tilespmem:s22+$0x90F0] =	vst v0;
	(pc) =	sbr.rel @p0 .LBB2_2-.Ltmp2, $4  }
0x68: {  	[hbm4b:s21+s4] =	stream.linear.scatter [tilespmem:s16], [sflag:$0x4], $0x1000, $0x38;
	[tilespmem:$0xA080] =	vst v63  }
0x69: {  	_ =	swait.ge [sflag:s9], $0x1000  }
0x6a: {  	[sflag:s9] =	ssyncset.done $0x0  }
0x6b: {  	[sflag:s9] =	ssyncadd.s32 $0xFFFFF000  }
0x6c: {  	s19 =	sadd.s32 $0x1, s19  }
0x6d: {  	p0 =	sne.s32 s19, s8  }
.Ltmp3:
0x6e: {  	_ = 	snop;
	(pc) =	sbr.rel @p0 .LBB2_1-.Ltmp3, $4  }
0x6f: {  	_ = 	snop  }
0x70: {  	_ =	swait.ge [sflag:s17], $0x1000  }
0x71: {  	[sflag:s17] =	ssyncset.done $0x0  }
0x72: {  	[sflag:s17] =	ssyncadd.s32 $0xFFFFF000  }
0x73: {  	_ =	sfence.sel $0x180000  }
0x74: {  	[bflag:$0x0] =	sbarrier.arrive $0xFFFF  }
0x75: {  	p0 =	sne.s32 s2, $0x0;
	_ =	strace $0x90000047  }
0x76: {  	s0 =	sadd.s32 @!p0 $0x100000, s0;
	[bflag:$0x2] =	sbarrier.arrive $0xFFFF  }
0x77: {  	[sflag:s0] =	ssyncadd.tile.s32 @!p0 $0x1;
	_ =	shalt  }
.Lfunc_end2:
_tile_overlayer_lowered:
.L_overlay_start_2:
0x78: {  	(tag) =	ssettag $0x2  }
0x79: {  	s0 =	rddreg [dreg:$0x0];
	s2 =	stileid.u32  }
0x7a: {  	s1 =	rddreg [dreg:$0x1];
	p0 =	sne.s32 s2, $0x0  }
0x7b: {  	s3 =	rddreg [dreg:$0x2];
	[bflag:$0x3] =	sbarrier.arrive $0xFFFF;
	s2 =	simm.s32 @!p0 $0x1C04  }
0x7c: {  	[timem:s3], [sflag:s2] =	dma.local @!p0 [hbm:s0], s1  }
0x7d: {  	s0 =	simm.s32 @!p0 $0x4  }
0x7e: {  	_ =	swait.ge @!p0 [sflag:s0], s1  }
0x7f: {  	s1 =	ssub.s32 @!p0 $0x0, s1;
	[sflag:s0] =	ssyncset.done @!p0 $0x0  }
0x80: {  	[sflag:s0] =	ssyncadd.s32 @!p0 s1  }
0x81: {  	[bflag:$0x3] =	sbarrier.arrive $0xFFFF  }
0x82: {  	_ =	shalt  }

</sc_bundles>
